<compile_context>
chip_gen: v7x
topology: tpu7x:2x2x1
jax: 0.10.2.dev20260603
libtpu: 0.0.44.dev20260713+nightly
codegen_flags: <defaults>
</compile_context>

<pallas_src>
import functools

import jax
import jax.numpy as jnp
from jax import lax
from jax.experimental import pallas as pl
from jax.experimental.pallas import tpu as pltpu
from jax.experimental.pallas import tpu_sc as plsc

_VOCAB = 262208
_D = 768
_B = 4
_S = 2048
_IMG_TOKENS = 256
_IMAGE_TOKEN_INDEX = 262144

_N = _B * _S
_NIMG = _B * _IMG_TOKENS
_NC = 2
_NS = 16
_NW = _NC * _NS
_CHUNK = _N // _NW
_L = 16
_VPC = _CHUNK // _L
_SUB = 64
_NSUB = _CHUNK // _SUB

_mesh = plsc.VectorSubcoreMesh(core_axis_name="c", subcore_axis_name="s")


@functools.partial(
    pl.kernel,
    mesh=_mesh,
    out_type=jax.ShapeDtypeStruct((_N, _D), jnp.float32),
    compiler_params=pltpu.CompilerParams(needs_layout_passes=False),
    scratch_types=[
        pltpu.VMEM((_N,), jnp.int32),
        pltpu.VMEM((_CHUNK + _L,), jnp.int32),
        pltpu.VMEM((_CHUNK + _L,), jnp.int32),
        pltpu.VMEM((_SUB, _D), jnp.float32),
        pltpu.VMEM((_SUB, _D), jnp.float32),
        pltpu.SemaphoreType.DMA,
        pltpu.SemaphoreType.DMA,
    ],
)
def _sc_embed(ids_hbm, feats_hbm, w_hbm, out_hbm,
              ids_v, rloc_v, rimg_v, buf0, buf1, sem0, sem1):
    wid = lax.axis_index("s") * _NC + lax.axis_index("c")
    base = wid * _CHUNK
    bufs = (buf0, buf1)
    sems = (sem0, sem1)

    pltpu.sync_copy(ids_hbm, ids_v)

    copies = [None] * _NSUB
    for sub in range(min(2, _NSUB)):
        idx = ids_v.at[pl.ds(base + sub * _SUB, _SUB)]
        copies[sub] = pltpu.async_copy(w_hbm.at[idx], bufs[sub % 2],
                                       sems[sub % 2])

    def _count(i, acc):
        v = ids_v[pl.ds(i * _L, _L)]
        return acc + (v == _IMAGE_TOKEN_INDEX).astype(jnp.int32)

    accv = lax.fori_loop(0, wid * _VPC, _count, jnp.zeros((_L,), jnp.int32))
    offset = jnp.sum(accv)

    lane = lax.iota(jnp.int32, _L)
    cnt = jnp.int32(0)
    bounds = [jnp.int32(0)]
    for j in range(_VPC):
        v = ids_v[pl.ds(base + j * _L, _L)]
        m = v == _IMAGE_TOKEN_INDEX
        mi = m.astype(jnp.int32)
        c = plsc.cumsum(mi)
        pos = offset + cnt + c - 1
        img_idx = jnp.minimum(pos, _NIMG - 1)
        rowloc = j * _L + lane
        plsc.store_compressed(rloc_v.at[pl.ds(cnt, _L)], rowloc, mask=m)
        plsc.store_compressed(rimg_v.at[pl.ds(cnt, _L)], img_idx, mask=m)
        cnt = cnt + c[_L - 1]
        if j % (_SUB // _L) == (_SUB // _L) - 1:
            bounds.append(cnt)

    for sub in range(_NSUB):
        buf = bufs[sub % 2]
        copies[sub].wait()

        def _fix(e, _, sub=sub, buf=buf):
            rl = rloc_v[pl.ds(e, _L)][0]
            ri = rimg_v[pl.ds(e, _L)][0]
            pltpu.sync_copy(feats_hbm.at[pl.ds(ri, 1)],
                            buf.at[pl.ds(rl - sub * _SUB, 1)])
            return 0

        lax.fori_loop(bounds[sub], bounds[sub + 1], _fix, 0)
        pltpu.sync_copy(buf, out_hbm.at[pl.ds(base + sub * _SUB, _SUB)])
        if sub + 2 < _NSUB:
            idx = ids_v.at[pl.ds(base + (sub + 2) * _SUB, _SUB)]
            copies[sub + 2] = pltpu.async_copy(w_hbm.at[idx], buf,
                                               sems[sub % 2])


def kernel(input_ids, image_features, W):
    ids = input_ids.reshape(_N)
    feats = image_features.reshape(_NIMG, _D)
    out = _sc_embed(ids, feats, W)
    return out.reshape(_B, _S, _D)

# --- scband reference (transcript-rebuilt; emitter-appended) ---
"""Pipeline reference for scband-embedding-layer-6416681141071 (READ-ONLY COPY).

The authoritative reference and input builder live on the scoring server;
editing this copy changes nothing except your own understanding.
"""

import jax, jax.numpy as jnp
import numpy as np

VOCAB = 262208
D = 768
B = 4
S = 2048
IMG_TOKENS = 256
IMAGE_TOKEN_INDEX = 262144


def setup_inputs(seed: int = 0) -> dict:
    key = jax.random.key(seed)
    k1, k2, k3 = jax.random.split(key, 3)
    input_ids = jax.random.randint(k1, (B, S), 0, VOCAB, dtype=jnp.int32)
    image_features = jax.random.normal(k2, (B, IMG_TOKENS, D), dtype=jnp.float32)
    W = jax.random.normal(k3, (VOCAB, D), dtype=jnp.float32) * 0.02
    return {"input_ids": input_ids, "image_features": image_features, "W": W}


def reference(input_ids, image_features, W):
    # inputs_embeds = embedding_layer(input_ids)
    inputs_embeds = jnp.take(W, input_ids, axis=0)  # [B, S, D]
    # special_image_mask = (input_ids == image_token_index).unsqueeze(-1).expand_as(inputs_embeds)
    mask = (input_ids == IMAGE_TOKEN_INDEX)  # [B, S]
    flat_mask = mask.reshape(-1)  # [B*S]
    flat_emb = inputs_embeds.reshape(-1, D)  # [B*S, D]
    flat_feats = image_features.astype(inputs_embeds.dtype).reshape(-1, D)  # [B*IMG, D]
    # masked_scatter semantics: i-th True row (in flattened order) receives
    # the i-th row of flattened image_features (mask is uniform across last dim).
    pos = jnp.cumsum(flat_mask.astype(jnp.int32)) - 1  # running index into flat_feats
    pos = jnp.clip(pos, 0, flat_feats.shape[0] - 1)
    gathered = jnp.take(flat_feats, pos, axis=0)  # [B*S, D]
    out = jnp.where(flat_mask[:, None], gathered, flat_emb)
    return out.reshape(B, S, D)

if __name__ == "__main__":
    import jax
    _d = setup_inputs()
    print(jax.jit(kernel)(*tuple(_d.values())))

</pallas_src>

<mosaic_0001>
#map = affine_map<(d0, d1) -> (0)>
#map1 = affine_map<(d0, d1) -> (0, 0)>
module attributes {stable_mosaic.version = 14 : i64} {
  func.func @_sc_embed(%arg0: i32, %arg1: i32, %arg2: memref<8192xi32, #tpu.memory_space<hbm>>, %arg3: memref<1024x768xf32, #tpu.memory_space<hbm>>, %arg4: memref<262208x768xf32, #tpu.memory_space<hbm>>, %arg5: memref<8192x768xf32, #tpu.memory_space<hbm>>, %arg6: memref<8192xi32, #tpu.memory_space<vmem>>, %arg7: memref<272xi32, #tpu.memory_space<vmem>>, %arg8: memref<272xi32, #tpu.memory_space<vmem>>, %arg9: memref<64x768xf32, #tpu.memory_space<vmem>>, %arg10: memref<64x768xf32, #tpu.memory_space<vmem>>, %arg11: memref<!tpu.dma_semaphore, #tpu.memory_space<semaphore_mem>>, %arg12: memref<!tpu.dma_semaphore, #tpu.memory_space<semaphore_mem>>) attributes {dimension_semantics = [#tpu.dimension_semantics<core_parallel>, #tpu.dimension_semantics<subcore_parallel>], iteration_bounds = array<i64: 2, 16>, scalar_prefetch = 0 : i64, scratch_operands = 7 : i64, tpu.core_type = #tpu.core_type<sc_vector_subcore>, window_params = [{transform_indices = #map}, {transform_indices = #map1}, {transform_indices = #map1}, {transform_indices = #map1}]} {
    %mul3A = arith.constant 2 : i32
    %mul3A_0 = arith.muli %arg1, %mul3A : i32
    %add3A = arith.addi %mul3A_0, %arg0 : i32
    %mul3A_1 = arith.constant 256 : i32
    %mul3A_2 = arith.muli %add3A, %mul3A_1 : i32
    "tpu.region"() ({
      %run_scoped3A = tpu.sem_alloc : memref<!tpu.dma_semaphore, #tpu.memory_space<semaphore_mem>>
      tpu.enqueue_dma source(%arg2 : memref<8192xi32, #tpu.memory_space<hbm>>) target(%arg6 : memref<8192xi32, #tpu.memory_space<vmem>>) target_semaphore(%run_scoped3A : memref<!tpu.dma_semaphore, #tpu.memory_space<semaphore_mem>>)
      tpu.wait_dma2 semaphore(%run_scoped3A : memref<!tpu.dma_semaphore, #tpu.memory_space<semaphore_mem>>) src(%arg2 : memref<8192xi32, #tpu.memory_space<hbm>>) dst(%arg6 : memref<8192xi32, #tpu.memory_space<vmem>>)
      tpu.yield
    }) : () -> ()
    %add3A_3 = arith.constant 0 : i32
    %add3A_4 = arith.addi %mul3A_2, %add3A_3 : i32
    %dma_start3A = tpu.memref_slice %arg6[%add3A_4] : memref<8192xi32, #tpu.memory_space<vmem>> -> memref<64xi32, #tpu.memory_space<vmem>>
    %dma_start3A_5 = arith.constant 0 : i32
    %dma_start3A_6 = arith.constant 0 : i32
    %dma_start3A_7 = tpu.memref_slice %arg4[%dma_start3A_5, %dma_start3A_6] : memref<262208x768xf32, #tpu.memory_space<hbm>> -> memref<262208x768xf32, #tpu.memory_space<hbm>>
    tpu.enqueue_indirect_dma source(%dma_start3A_7 : memref<262208x768xf32, #tpu.memory_space<hbm>>) target(%arg9 : memref<64x768xf32, #tpu.memory_space<vmem>>) offsets(%dma_start3A : memref<64xi32, #tpu.memory_space<vmem>>) semaphore(%arg11 : memref<!tpu.dma_semaphore, #tpu.memory_space<semaphore_mem>>)
    %add3A_8 = arith.constant 64 : i32
    %add3A_9 = arith.addi %mul3A_2, %add3A_8 : i32
    %dma_start3A_10 = tpu.memref_slice %arg6[%add3A_9] : memref<8192xi32, #tpu.memory_space<vmem>> -> memref<64xi32, #tpu.memory_space<vmem>>
    %dma_start3A_11 = arith.constant 0 : i32
    %dma_start3A_12 = arith.constant 0 : i32
    %dma_start3A_13 = tpu.memref_slice %arg4[%dma_start3A_11, %dma_start3A_12] : memref<262208x768xf32, #tpu.memory_space<hbm>> -> memref<262208x768xf32, #tpu.memory_space<hbm>>
    tpu.enqueue_indirect_dma source(%dma_start3A_13 : memref<262208x768xf32, #tpu.memory_space<hbm>>) target(%arg10 : memref<64x768xf32, #tpu.memory_space<vmem>>) offsets(%dma_start3A_10 : memref<64xi32, #tpu.memory_space<vmem>>) semaphore(%arg12 : memref<!tpu.dma_semaphore, #tpu.memory_space<semaphore_mem>>)
    %mul3A_14 = arith.constant 16 : i32
    %mul3A_15 = arith.muli %add3A, %mul3A_14 : i32
    %broadcast_in_dim3A = arith.constant 0 : i32
    %broadcast_in_dim3A_16 = vector.broadcast %broadcast_in_dim3A : i32 to vector<16xi32>
    %while3A = arith.constant 0 : i32
    %while3A_17 = arith.subi %mul3A_15, %while3A : i32
    %while3A_18 = arith.addi %while3A, %while3A_17 : i32
    %while3A_19 = arith.constant 1 : i32
    %while3A_20 = arith.divsi %while3A_17, %while3A_19 : i32
    %while3A_21 = arith.muli %while3A_20, %while3A_19 : i32
    %while3A_22 = arith.addi %while3A, %while3A_21 : i32
    %while3A_23 = arith.constant 1 : i32
    %while3A_24 = scf.for %while3A_585 = %while3A to %while3A_22 step %while3A_23 iter_args(%while3A_586 = %broadcast_in_dim3A_16) -> (vector<16xi32>)  : i32 {
      %mul3A_587 = arith.constant 16 : i32
      %mul3A_588 = arith.muli %while3A_585, %mul3A_587 : i32
      %get3A_589 = arith.index_cast %mul3A_588 : i32 to index
      %get3A_590 = tpu.vector_load %arg6[%get3A_589] {strides = array<i32>} : memref<8192xi32, #tpu.memory_space<vmem>>, vector<16xi32>,
      %eq3A_591 = arith.constant 262144 : i32
      %eq3A_592 = vector.broadcast %eq3A_591 : i32 to vector<16xi32>
      %eq3A_593 = arith.cmpi eq, %get3A_590, %eq3A_592 : vector<16xi32>
      %convert_element_type3A_594 = arith.extui %eq3A_593 : vector<16xi1> to vector<16xi32>
      %add3A_595 = arith.addi %while3A_586, %convert_element_type3A_594 : vector<16xi32>
      scf.yield %add3A_595 : vector<16xi32>
    }
    %while3A_25 = arith.constant 1 : i32
    %while3A_26 = scf.for %while3A_585 = %while3A_22 to %while3A_18 step %while3A_25 iter_args(%while3A_586 = %while3A_24) -> (vector<16xi32>)  : i32 {
      %mul3A_587 = arith.constant 16 : i32
      %mul3A_588 = arith.muli %while3A_585, %mul3A_587 : i32
      %get3A_589 = arith.index_cast %mul3A_588 : i32 to index
      %get3A_590 = tpu.vector_load %arg6[%get3A_589] {strides = array<i32>} : memref<8192xi32, #tpu.memory_space<vmem>>, vector<16xi32>,
      %eq3A_591 = arith.constant 262144 : i32
      %eq3A_592 = vector.broadcast %eq3A_591 : i32 to vector<16xi32>
      %eq3A_593 = arith.cmpi eq, %get3A_590, %eq3A_592 : vector<16xi32>
      %convert_element_type3A_594 = arith.extui %eq3A_593 : vector<16xi1> to vector<16xi32>
      %add3A_595 = arith.addi %while3A_586, %convert_element_type3A_594 : vector<16xi32>
      scf.yield %add3A_595 : vector<16xi32>
    }
    %reduce_sum3A = arith.constant true
    %reduce_sum3A_27 = vector.broadcast %reduce_sum3A : i1 to vector<16xi1>
    %reduce_sum3A_28 = tpu.scan <sum>, %while3A_26 masked %reduce_sum3A_27 : vector<16xi32>, vector<16xi1> -> vector<16xi32>
    %reduce_sum3A_29 = vector.extract %reduce_sum3A_28[15] : i32 from vector<16xi32>
    %iota3A = tpu.iota {dimensions = array<i32: 0>} : vector<16xi32>
    %add3A_30 = arith.constant 0 : i32
    %add3A_31 = arith.addi %mul3A_2, %add3A_30 : i32
    %get3A = arith.index_cast %add3A_31 : i32 to index
    %get3A_32 = tpu.vector_load %arg6[%get3A] {strides = array<i32>} : memref<8192xi32, #tpu.memory_space<vmem>>, vector<16xi32>,
    %eq3A = arith.constant 262144 : i32
    %eq3A_33 = vector.broadcast %eq3A : i32 to vector<16xi32>
    %eq3A_34 = arith.cmpi eq, %get3A_32, %eq3A_33 : vector<16xi32>
    %convert_element_type3A = arith.extui %eq3A_34 : vector<16xi1> to vector<16xi32>
    %broadcast_in_dim3A_35 = arith.constant true
    %broadcast_in_dim3A_36 = vector.broadcast %broadcast_in_dim3A_35 : i1 to vector<16xi1>
    %masked_cumsum3A = tpu.scan <sum>, %convert_element_type3A masked %broadcast_in_dim3A_36 : vector<16xi32>, vector<16xi1> -> vector<16xi32>
    %add3A_37 = arith.constant 0 : i32
    %add3A_38 = arith.addi %reduce_sum3A_29, %add3A_37 : i32
    %add3A_39 = vector.broadcast %add3A_38 : i32 to vector<16xi32>
    %add3A_40 = arith.addi %add3A_39, %masked_cumsum3A : vector<16xi32>
    %sub3A = arith.constant 1 : i32
    %sub3A_41 = vector.broadcast %sub3A : i32 to vector<16xi32>
    %sub3A_42 = arith.subi %add3A_40, %sub3A_41 : vector<16xi32>
    %min3A = arith.constant 1023 : i32
    %min3A_43 = vector.broadcast %min3A : i32 to vector<16xi32>
    %min3A_44 = arith.minsi %sub3A_42, %min3A_43 : vector<16xi32>
    %add3A_45 = arith.constant 0 : i32
    %add3A_46 = vector.broadcast %add3A_45 : i32 to vector<16xi32>
    %add3A_47 = arith.addi %add3A_46, %iota3A : vector<16xi32>
    %swap3A = arith.constant 0 : i32
    %swap3A_48 = arith.index_cast %swap3A : i32 to index
    %swap3A_49 = tpu.vector_load %arg7[%swap3A_48] masked %eq3A_34 {strides = array<i32>} : memref<272xi32, #tpu.memory_space<vmem>>, vector<16xi32>, vector<16xi1>
    tpu.vector_store %arg7[%swap3A_48], %add3A_47 masked %eq3A_34 {strides = array<i32>} : memref<272xi32, #tpu.memory_space<vmem>>, vector<16xi32>, vector<16xi1>
    %swap3A_50 = arith.constant 0 : i32
    %swap3A_51 = arith.index_cast %swap3A_50 : i32 to index
    %swap3A_52 = tpu.vector_load %arg8[%swap3A_51] masked %eq3A_34 {strides = array<i32>} : memref<272xi32, #tpu.memory_space<vmem>>, vector<16xi32>, vector<16xi1>
    tpu.vector_store %arg8[%swap3A_51], %min3A_44 masked %eq3A_34 {strides = array<i32>} : memref<272xi32, #tpu.memory_space<vmem>>, vector<16xi32>, vector<16xi1>
    %slice3A = vector.extract_strided_slice %masked_cumsum3A {offsets = [15], sizes = [1], strides = [1]} : vector<16xi32> to vector<1xi32>
    %squeeze3A = vector.extract %slice3A[0] : i32 from vector<1xi32>
    %add3A_53 = arith.constant 0 : i32
    %add3A_54 = arith.addi %add3A_53, %squeeze3A : i32
    %add3A_55 = arith.constant 16 : i32
    %add3A_56 = arith.addi %mul3A_2, %add3A_55 : i32
    %get3A_57 = arith.index_cast %add3A_56 : i32 to index
    %get3A_58 = tpu.vector_load %arg6[%get3A_57] {strides = array<i32>} : memref<8192xi32, #tpu.memory_space<vmem>>, vector<16xi32>,
    %eq3A_59 = arith.constant 262144 : i32
    %eq3A_60 = vector.broadcast %eq3A_59 : i32 to vector<16xi32>
    %eq3A_61 = arith.cmpi eq, %get3A_58, %eq3A_60 : vector<16xi32>
    %convert_element_type3A_62 = arith.extui %eq3A_61 : vector<16xi1> to vector<16xi32>
    %broadcast_in_dim3A_63 = arith.constant true
    %broadcast_in_dim3A_64 = vector.broadcast %broadcast_in_dim3A_63 : i1 to vector<16xi1>
    %masked_cumsum3A_65 = tpu.scan <sum>, %convert_element_type3A_62 masked %broadcast_in_dim3A_64 : vector<16xi32>, vector<16xi1> -> vector<16xi32>
    %add3A_66 = arith.addi %reduce_sum3A_29, %add3A_54 : i32
    %add3A_67 = vector.broadcast %add3A_66 : i32 to vector<16xi32>
    %add3A_68 = arith.addi %add3A_67, %masked_cumsum3A_65 : vector<16xi32>
    %sub3A_69 = arith.constant 1 : i32
    %sub3A_70 = vector.broadcast %sub3A_69 : i32 to vector<16xi32>
    %sub3A_71 = arith.subi %add3A_68, %sub3A_70 : vector<16xi32>
    %min3A_72 = arith.constant 1023 : i32
    %min3A_73 = vector.broadcast %min3A_72 : i32 to vector<16xi32>
    %min3A_74 = arith.minsi %sub3A_71, %min3A_73 : vector<16xi32>
    %add3A_75 = arith.constant 16 : i32
    %add3A_76 = vector.broadcast %add3A_75 : i32 to vector<16xi32>
    %add3A_77 = arith.addi %add3A_76, %iota3A : vector<16xi32>
    %swap3A_78 = arith.index_cast %add3A_54 : i32 to index
    %swap3A_79 = tpu.vector_load %arg7[%swap3A_78] masked %eq3A_61 {strides = array<i32>} : memref<272xi32, #tpu.memory_space<vmem>>, vector<16xi32>, vector<16xi1>
    tpu.vector_store %arg7[%swap3A_78], %add3A_77 masked %eq3A_61 {strides = array<i32>} : memref<272xi32, #tpu.memory_space<vmem>>, vector<16xi32>, vector<16xi1>
    %swap3A_80 = arith.index_cast %add3A_54 : i32 to index
    %swap3A_81 = tpu.vector_load %arg8[%swap3A_80] masked %eq3A_61 {strides = array<i32>} : memref<272xi32, #tpu.memory_space<vmem>>, vector<16xi32>, vector<16xi1>
    tpu.vector_store %arg8[%swap3A_80], %min3A_74 masked %eq3A_61 {strides = array<i32>} : memref<272xi32, #tpu.memory_space<vmem>>, vector<16xi32>, vector<16xi1>
    %slice3A_82 = vector.extract_strided_slice %masked_cumsum3A_65 {offsets = [15], sizes = [1], strides = [1]} : vector<16xi32> to vector<1xi32>
    %squeeze3A_83 = vector.extract %slice3A_82[0] : i32 from vector<1xi32>
    %add3A_84 = arith.addi %add3A_54, %squeeze3A_83 : i32
    %add3A_85 = arith.constant 32 : i32
    %add3A_86 = arith.addi %mul3A_2, %add3A_85 : i32
    %get3A_87 = arith.index_cast %add3A_86 : i32 to index
    %get3A_88 = tpu.vector_load %arg6[%get3A_87] {strides = array<i32>} : memref<8192xi32, #tpu.memory_space<vmem>>, vector<16xi32>,
    %eq3A_89 = arith.constant 262144 : i32
    %eq3A_90 = vector.broadcast %eq3A_89 : i32 to vector<16xi32>
    %eq3A_91 = arith.cmpi eq, %get3A_88, %eq3A_90 : vector<16xi32>
    %convert_element_type3A_92 = arith.extui %eq3A_91 : vector<16xi1> to vector<16xi32>
    %broadcast_in_dim3A_93 = arith.constant true
    %broadcast_in_dim3A_94 = vector.broadcast %broadcast_in_dim3A_93 : i1 to vector<16xi1>
    %masked_cumsum3A_95 = tpu.scan <sum>, %convert_element_type3A_92 masked %broadcast_in_dim3A_94 : vector<16xi32>, vector<16xi1> -> vector<16xi32>
    %add3A_96 = arith.addi %reduce_sum3A_29, %add3A_84 : i32
    %add3A_97 = vector.broadcast %add3A_96 : i32 to vector<16xi32>
    %add3A_98 = arith.addi %add3A_97, %masked_cumsum3A_95 : vector<16xi32>
    %sub3A_99 = arith.constant 1 : i32
    %sub3A_100 = vector.broadcast %sub3A_99 : i32 to vector<16xi32>
    %sub3A_101 = arith.subi %add3A_98, %sub3A_100 : vector<16xi32>
    %min3A_102 = arith.constant 1023 : i32
    %min3A_103 = vector.broadcast %min3A_102 : i32 to vector<16xi32>
    %min3A_104 = arith.minsi %sub3A_101, %min3A_103 : vector<16xi32>
    %add3A_105 = arith.constant 32 : i32
    %add3A_106 = vector.broadcast %add3A_105 : i32 to vector<16xi32>
    %add3A_107 = arith.addi %add3A_106, %iota3A : vector<16xi32>
    %swap3A_108 = arith.index_cast %add3A_84 : i32 to index
    %swap3A_109 = tpu.vector_load %arg7[%swap3A_108] masked %eq3A_91 {strides = array<i32>} : memref<272xi32, #tpu.memory_space<vmem>>, vector<16xi32>, vector<16xi1>
    tpu.vector_store %arg7[%swap3A_108], %add3A_107 masked %eq3A_91 {strides = array<i32>} : memref<272xi32, #tpu.memory_space<vmem>>, vector<16xi32>, vector<16xi1>
    %swap3A_110 = arith.index_cast %add3A_84 : i32 to index
    %swap3A_111 = tpu.vector_load %arg8[%swap3A_110] masked %eq3A_91 {strides = array<i32>} : memref<272xi32, #tpu.memory_space<vmem>>, vector<16xi32>, vector<16xi1>
    tpu.vector_store %arg8[%swap3A_110], %min3A_104 masked %eq3A_91 {strides = array<i32>} : memref<272xi32, #tpu.memory_space<vmem>>, vector<16xi32>, vector<16xi1>
    %slice3A_112 = vector.extract_strided_slice %masked_cumsum3A_95 {offsets = [15], sizes = [1], strides = [1]} : vector<16xi32> to vector<1xi32>
    %squeeze3A_113 = vector.extract %slice3A_112[0] : i32 from vector<1xi32>
    %add3A_114 = arith.addi %add3A_84, %squeeze3A_113 : i32
    %add3A_115 = arith.constant 48 : i32
    %add3A_116 = arith.addi %mul3A_2, %add3A_115 : i32
    %get3A_117 = arith.index_cast %add3A_116 : i32 to index
    %get3A_118 = tpu.vector_load %arg6[%get3A_117] {strides = array<i32>} : memref<8192xi32, #tpu.memory_space<vmem>>, vector<16xi32>,
    %eq3A_119 = arith.constant 262144 : i32
    %eq3A_120 = vector.broadcast %eq3A_119 : i32 to vector<16xi32>
    %eq3A_121 = arith.cmpi eq, %get3A_118, %eq3A_120 : vector<16xi32>
    %convert_element_type3A_122 = arith.extui %eq3A_121 : vector<16xi1> to vector<16xi32>
    %broadcast_in_dim3A_123 = arith.constant true
    %broadcast_in_dim3A_124 = vector.broadcast %broadcast_in_dim3A_123 : i1 to vector<16xi1>
    %masked_cumsum3A_125 = tpu.scan <sum>, %convert_element_type3A_122 masked %broadcast_in_dim3A_124 : vector<16xi32>, vector<16xi1> -> vector<16xi32>
    %add3A_126 = arith.addi %reduce_sum3A_29, %add3A_114 : i32
    %add3A_127 = vector.broadcast %add3A_126 : i32 to vector<16xi32>
    %add3A_128 = arith.addi %add3A_127, %masked_cumsum3A_125 : vector<16xi32>
    %sub3A_129 = arith.constant 1 : i32
    %sub3A_130 = vector.broadcast %sub3A_129 : i32 to vector<16xi32>
    %sub3A_131 = arith.subi %add3A_128, %sub3A_130 : vector<16xi32>
    %min3A_132 = arith.constant 1023 : i32
    %min3A_133 = vector.broadcast %min3A_132 : i32 to vector<16xi32>
    %min3A_134 = arith.minsi %sub3A_131, %min3A_133 : vector<16xi32>
    %add3A_135 = arith.constant 48 : i32
    %add3A_136 = vector.broadcast %add3A_135 : i32 to vector<16xi32>
    %add3A_137 = arith.addi %add3A_136, %iota3A : vector<16xi32>
    %swap3A_138 = arith.index_cast %add3A_114 : i32 to index
    %swap3A_139 = tpu.vector_load %arg7[%swap3A_138] masked %eq3A_121 {strides = array<i32>} : memref<272xi32, #tpu.memory_space<vmem>>, vector<16xi32>, vector<16xi1>
    tpu.vector_store %arg7[%swap3A_138], %add3A_137 masked %eq3A_121 {strides = array<i32>} : memref<272xi32, #tpu.memory_space<vmem>>, vector<16xi32>, vector<16xi1>
    %swap3A_140 = arith.index_cast %add3A_114 : i32 to index
    %swap3A_141 = tpu.vector_load %arg8[%swap3A_140] masked %eq3A_121 {strides = array<i32>} : memref<272xi32, #tpu.memory_space<vmem>>, vector<16xi32>, vector<16xi1>
    tpu.vector_store %arg8[%swap3A_140], %min3A_134 masked %eq3A_121 {strides = array<i32>} : memref<272xi32, #tpu.memory_space<vmem>>, vector<16xi32>, vector<16xi1>
    %slice3A_142 = vector.extract_strided_slice %masked_cumsum3A_125 {offsets = [15], sizes = [1], strides = [1]} : vector<16xi32> to vector<1xi32>
    %squeeze3A_143 = vector.extract %slice3A_142[0] : i32 from vector<1xi32>
    %add3A_144 = arith.addi %add3A_114, %squeeze3A_143 : i32
    %add3A_145 = arith.constant 64 : i32
    %add3A_146 = arith.addi %mul3A_2, %add3A_145 : i32
    %get3A_147 = arith.index_cast %add3A_146 : i32 to index
    %get3A_148 = tpu.vector_load %arg6[%get3A_147] {strides = array<i32>} : memref<8192xi32, #tpu.memory_space<vmem>>, vector<16xi32>,
    %eq3A_149 = arith.constant 262144 : i32
    %eq3A_150 = vector.broadcast %eq3A_149 : i32 to vector<16xi32>
    %eq3A_151 = arith.cmpi eq, %get3A_148, %eq3A_150 : vector<16xi32>
    %convert_element_type3A_152 = arith.extui %eq3A_151 : vector<16xi1> to vector<16xi32>
    %broadcast_in_dim3A_153 = arith.constant true
    %broadcast_in_dim3A_154 = vector.broadcast %broadcast_in_dim3A_153 : i1 to vector<16xi1>
    %masked_cumsum3A_155 = tpu.scan <sum>, %convert_element_type3A_152 masked %broadcast_in_dim3A_154 : vector<16xi32>, vector<16xi1> -> vector<16xi32>
    %add3A_156 = arith.addi %reduce_sum3A_29, %add3A_144 : i32
    %add3A_157 = vector.broadcast %add3A_156 : i32 to vector<16xi32>
    %add3A_158 = arith.addi %add3A_157, %masked_cumsum3A_155 : vector<16xi32>
    %sub3A_159 = arith.constant 1 : i32
    %sub3A_160 = vector.broadcast %sub3A_159 : i32 to vector<16xi32>
    %sub3A_161 = arith.subi %add3A_158, %sub3A_160 : vector<16xi32>
    %min3A_162 = arith.constant 1023 : i32
    %min3A_163 = vector.broadcast %min3A_162 : i32 to vector<16xi32>
    %min3A_164 = arith.minsi %sub3A_161, %min3A_163 : vector<16xi32>
    %add3A_165 = arith.constant 64 : i32
    %add3A_166 = vector.broadcast %add3A_165 : i32 to vector<16xi32>
    %add3A_167 = arith.addi %add3A_166, %iota3A : vector<16xi32>
    %swap3A_168 = arith.index_cast %add3A_144 : i32 to index
    %swap3A_169 = tpu.vector_load %arg7[%swap3A_168] masked %eq3A_151 {strides = array<i32>} : memref<272xi32, #tpu.memory_space<vmem>>, vector<16xi32>, vector<16xi1>
    tpu.vector_store %arg7[%swap3A_168], %add3A_167 masked %eq3A_151 {strides = array<i32>} : memref<272xi32, #tpu.memory_space<vmem>>, vector<16xi32>, vector<16xi1>
    %swap3A_170 = arith.index_cast %add3A_144 : i32 to index
    %swap3A_171 = tpu.vector_load %arg8[%swap3A_170] masked %eq3A_151 {strides = array<i32>} : memref<272xi32, #tpu.memory_space<vmem>>, vector<16xi32>, vector<16xi1>
    tpu.vector_store %arg8[%swap3A_170], %min3A_164 masked %eq3A_151 {strides = array<i32>} : memref<272xi32, #tpu.memory_space<vmem>>, vector<16xi32>, vector<16xi1>
    %slice3A_172 = vector.extract_strided_slice %masked_cumsum3A_155 {offsets = [15], sizes = [1], strides = [1]} : vector<16xi32> to vector<1xi32>
    %squeeze3A_173 = vector.extract %slice3A_172[0] : i32 from vector<1xi32>
    %add3A_174 = arith.addi %add3A_144, %squeeze3A_173 : i32
    %add3A_175 = arith.constant 80 : i32
    %add3A_176 = arith.addi %mul3A_2, %add3A_175 : i32
    %get3A_177 = arith.index_cast %add3A_176 : i32 to index
    %get3A_178 = tpu.vector_load %arg6[%get3A_177] {strides = array<i32>} : memref<8192xi32, #tpu.memory_space<vmem>>, vector<16xi32>,
    %eq3A_179 = arith.constant 262144 : i32
    %eq3A_180 = vector.broadcast %eq3A_179 : i32 to vector<16xi32>
    %eq3A_181 = arith.cmpi eq, %get3A_178, %eq3A_180 : vector<16xi32>
    %convert_element_type3A_182 = arith.extui %eq3A_181 : vector<16xi1> to vector<16xi32>
    %broadcast_in_dim3A_183 = arith.constant true
    %broadcast_in_dim3A_184 = vector.broadcast %broadcast_in_dim3A_183 : i1 to vector<16xi1>
    %masked_cumsum3A_185 = tpu.scan <sum>, %convert_element_type3A_182 masked %broadcast_in_dim3A_184 : vector<16xi32>, vector<16xi1> -> vector<16xi32>
    %add3A_186 = arith.addi %reduce_sum3A_29, %add3A_174 : i32
    %add3A_187 = vector.broadcast %add3A_186 : i32 to vector<16xi32>
    %add3A_188 = arith.addi %add3A_187, %masked_cumsum3A_185 : vector<16xi32>
    %sub3A_189 = arith.constant 1 : i32
    %sub3A_190 = vector.broadcast %sub3A_189 : i32 to vector<16xi32>
    %sub3A_191 = arith.subi %add3A_188, %sub3A_190 : vector<16xi32>
    %min3A_192 = arith.constant 1023 : i32
    %min3A_193 = vector.broadcast %min3A_192 : i32 to vector<16xi32>
    %min3A_194 = arith.minsi %sub3A_191, %min3A_193 : vector<16xi32>
    %add3A_195 = arith.constant 80 : i32
    %add3A_196 = vector.broadcast %add3A_195 : i32 to vector<16xi32>
    %add3A_197 = arith.addi %add3A_196, %iota3A : vector<16xi32>
    %swap3A_198 = arith.index_cast %add3A_174 : i32 to index
    %swap3A_199 = tpu.vector_load %arg7[%swap3A_198] masked %eq3A_181 {strides = array<i32>} : memref<272xi32, #tpu.memory_space<vmem>>, vector<16xi32>, vector<16xi1>
    tpu.vector_store %arg7[%swap3A_198], %add3A_197 masked %eq3A_181 {strides = array<i32>} : memref<272xi32, #tpu.memory_space<vmem>>, vector<16xi32>, vector<16xi1>
    %swap3A_200 = arith.index_cast %add3A_174 : i32 to index
    %swap3A_201 = tpu.vector_load %arg8[%swap3A_200] masked %eq3A_181 {strides = array<i32>} : memref<272xi32, #tpu.memory_space<vmem>>, vector<16xi32>, vector<16xi1>
    tpu.vector_store %arg8[%swap3A_200], %min3A_194 masked %eq3A_181 {strides = array<i32>} : memref<272xi32, #tpu.memory_space<vmem>>, vector<16xi32>, vector<16xi1>
    %slice3A_202 = vector.extract_strided_slice %masked_cumsum3A_185 {offsets = [15], sizes = [1], strides = [1]} : vector<16xi32> to vector<1xi32>
    %squeeze3A_203 = vector.extract %slice3A_202[0] : i32 from vector<1xi32>
    %add3A_204 = arith.addi %add3A_174, %squeeze3A_203 : i32
    %add3A_205 = arith.constant 96 : i32
    %add3A_206 = arith.addi %mul3A_2, %add3A_205 : i32
    %get3A_207 = arith.index_cast %add3A_206 : i32 to index
    %get3A_208 = tpu.vector_load %arg6[%get3A_207] {strides = array<i32>} : memref<8192xi32, #tpu.memory_space<vmem>>, vector<16xi32>,
    %eq3A_209 = arith.constant 262144 : i32
    %eq3A_210 = vector.broadcast %eq3A_209 : i32 to vector<16xi32>
    %eq3A_211 = arith.cmpi eq, %get3A_208, %eq3A_210 : vector<16xi32>
    %convert_element_type3A_212 = arith.extui %eq3A_211 : vector<16xi1> to vector<16xi32>
    %broadcast_in_dim3A_213 = arith.constant true
    %broadcast_in_dim3A_214 = vector.broadcast %broadcast_in_dim3A_213 : i1 to vector<16xi1>
    %masked_cumsum3A_215 = tpu.scan <sum>, %convert_element_type3A_212 masked %broadcast_in_dim3A_214 : vector<16xi32>, vector<16xi1> -> vector<16xi32>
    %add3A_216 = arith.addi %reduce_sum3A_29, %add3A_204 : i32
    %add3A_217 = vector.broadcast %add3A_216 : i32 to vector<16xi32>
    %add3A_218 = arith.addi %add3A_217, %masked_cumsum3A_215 : vector<16xi32>
    %sub3A_219 = arith.constant 1 : i32
    %sub3A_220 = vector.broadcast %sub3A_219 : i32 to vector<16xi32>
    %sub3A_221 = arith.subi %add3A_218, %sub3A_220 : vector<16xi32>
    %min3A_222 = arith.constant 1023 : i32
    %min3A_223 = vector.broadcast %min3A_222 : i32 to vector<16xi32>
    %min3A_224 = arith.minsi %sub3A_221, %min3A_223 : vector<16xi32>
    %add3A_225 = arith.constant 96 : i32
    %add3A_226 = vector.broadcast %add3A_225 : i32 to vector<16xi32>
    %add3A_227 = arith.addi %add3A_226, %iota3A : vector<16xi32>
    %swap3A_228 = arith.index_cast %add3A_204 : i32 to index
    %swap3A_229 = tpu.vector_load %arg7[%swap3A_228] masked %eq3A_211 {strides = array<i32>} : memref<272xi32, #tpu.memory_space<vmem>>, vector<16xi32>, vector<16xi1>
    tpu.vector_store %arg7[%swap3A_228], %add3A_227 masked %eq3A_211 {strides = array<i32>} : memref<272xi32, #tpu.memory_space<vmem>>, vector<16xi32>, vector<16xi1>
    %swap3A_230 = arith.index_cast %add3A_204 : i32 to index
    %swap3A_231 = tpu.vector_load %arg8[%swap3A_230] masked %eq3A_211 {strides = array<i32>} : memref<272xi32, #tpu.memory_space<vmem>>, vector<16xi32>, vector<16xi1>
    tpu.vector_store %arg8[%swap3A_230], %min3A_224 masked %eq3A_211 {strides = array<i32>} : memref<272xi32, #tpu.memory_space<vmem>>, vector<16xi32>, vector<16xi1>
    %slice3A_232 = vector.extract_strided_slice %masked_cumsum3A_215 {offsets = [15], sizes = [1], strides = [1]} : vector<16xi32> to vector<1xi32>
    %squeeze3A_233 = vector.extract %slice3A_232[0] : i32 from vector<1xi32>
    %add3A_234 = arith.addi %add3A_204, %squeeze3A_233 : i32
    %add3A_235 = arith.constant 112 : i32
    %add3A_236 = arith.addi %mul3A_2, %add3A_235 : i32
    %get3A_237 = arith.index_cast %add3A_236 : i32 to index
    %get3A_238 = tpu.vector_load %arg6[%get3A_237] {strides = array<i32>} : memref<8192xi32, #tpu.memory_space<vmem>>, vector<16xi32>,
    %eq3A_239 = arith.constant 262144 : i32
    %eq3A_240 = vector.broadcast %eq3A_239 : i32 to vector<16xi32>
    %eq3A_241 = arith.cmpi eq, %get3A_238, %eq3A_240 : vector<16xi32>
    %convert_element_type3A_242 = arith.extui %eq3A_241 : vector<16xi1> to vector<16xi32>
    %broadcast_in_dim3A_243 = arith.constant true
    %broadcast_in_dim3A_244 = vector.broadcast %broadcast_in_dim3A_243 : i1 to vector<16xi1>
    %masked_cumsum3A_245 = tpu.scan <sum>, %convert_element_type3A_242 masked %broadcast_in_dim3A_244 : vector<16xi32>, vector<16xi1> -> vector<16xi32>
    %add3A_246 = arith.addi %reduce_sum3A_29, %add3A_234 : i32
    %add3A_247 = vector.broadcast %add3A_246 : i32 to vector<16xi32>
    %add3A_248 = arith.addi %add3A_247, %masked_cumsum3A_245 : vector<16xi32>
    %sub3A_249 = arith.constant 1 : i32
    %sub3A_250 = vector.broadcast %sub3A_249 : i32 to vector<16xi32>
    %sub3A_251 = arith.subi %add3A_248, %sub3A_250 : vector<16xi32>
    %min3A_252 = arith.constant 1023 : i32
    %min3A_253 = vector.broadcast %min3A_252 : i32 to vector<16xi32>
    %min3A_254 = arith.minsi %sub3A_251, %min3A_253 : vector<16xi32>
    %add3A_255 = arith.constant 112 : i32
    %add3A_256 = vector.broadcast %add3A_255 : i32 to vector<16xi32>
    %add3A_257 = arith.addi %add3A_256, %iota3A : vector<16xi32>
    %swap3A_258 = arith.index_cast %add3A_234 : i32 to index
    %swap3A_259 = tpu.vector_load %arg7[%swap3A_258] masked %eq3A_241 {strides = array<i32>} : memref<272xi32, #tpu.memory_space<vmem>>, vector<16xi32>, vector<16xi1>
    tpu.vector_store %arg7[%swap3A_258], %add3A_257 masked %eq3A_241 {strides = array<i32>} : memref<272xi32, #tpu.memory_space<vmem>>, vector<16xi32>, vector<16xi1>
    %swap3A_260 = arith.index_cast %add3A_234 : i32 to index
    %swap3A_261 = tpu.vector_load %arg8[%swap3A_260] masked %eq3A_241 {strides = array<i32>} : memref<272xi32, #tpu.memory_space<vmem>>, vector<16xi32>, vector<16xi1>
    tpu.vector_store %arg8[%swap3A_260], %min3A_254 masked %eq3A_241 {strides = array<i32>} : memref<272xi32, #tpu.memory_space<vmem>>, vector<16xi32>, vector<16xi1>
    %slice3A_262 = vector.extract_strided_slice %masked_cumsum3A_245 {offsets = [15], sizes = [1], strides = [1]} : vector<16xi32> to vector<1xi32>
    %squeeze3A_263 = vector.extract %slice3A_262[0] : i32 from vector<1xi32>
    %add3A_264 = arith.addi %add3A_234, %squeeze3A_263 : i32
    %add3A_265 = arith.constant 128 : i32
    %add3A_266 = arith.addi %mul3A_2, %add3A_265 : i32
    %get3A_267 = arith.index_cast %add3A_266 : i32 to index
    %get3A_268 = tpu.vector_load %arg6[%get3A_267] {strides = array<i32>} : memref<8192xi32, #tpu.memory_space<vmem>>, vector<16xi32>,
    %eq3A_269 = arith.constant 262144 : i32
    %eq3A_270 = vector.broadcast %eq3A_269 : i32 to vector<16xi32>
    %eq3A_271 = arith.cmpi eq, %get3A_268, %eq3A_270 : vector<16xi32>
    %convert_element_type3A_272 = arith.extui %eq3A_271 : vector<16xi1> to vector<16xi32>
    %broadcast_in_dim3A_273 = arith.constant true
    %broadcast_in_dim3A_274 = vector.broadcast %broadcast_in_dim3A_273 : i1 to vector<16xi1>
    %masked_cumsum3A_275 = tpu.scan <sum>, %convert_element_type3A_272 masked %broadcast_in_dim3A_274 : vector<16xi32>, vector<16xi1> -> vector<16xi32>
    %add3A_276 = arith.addi %reduce_sum3A_29, %add3A_264 : i32
    %add3A_277 = vector.broadcast %add3A_276 : i32 to vector<16xi32>
    %add3A_278 = arith.addi %add3A_277, %masked_cumsum3A_275 : vector<16xi32>
    %sub3A_279 = arith.constant 1 : i32
    %sub3A_280 = vector.broadcast %sub3A_279 : i32 to vector<16xi32>
    %sub3A_281 = arith.subi %add3A_278, %sub3A_280 : vector<16xi32>
    %min3A_282 = arith.constant 1023 : i32
    %min3A_283 = vector.broadcast %min3A_282 : i32 to vector<16xi32>
    %min3A_284 = arith.minsi %sub3A_281, %min3A_283 : vector<16xi32>
    %add3A_285 = arith.constant 128 : i32
    %add3A_286 = vector.broadcast %add3A_285 : i32 to vector<16xi32>
    %add3A_287 = arith.addi %add3A_286, %iota3A : vector<16xi32>
    %swap3A_288 = arith.index_cast %add3A_264 : i32 to index
    %swap3A_289 = tpu.vector_load %arg7[%swap3A_288] masked %eq3A_271 {strides = array<i32>} : memref<272xi32, #tpu.memory_space<vmem>>, vector<16xi32>, vector<16xi1>
    tpu.vector_store %arg7[%swap3A_288], %add3A_287 masked %eq3A_271 {strides = array<i32>} : memref<272xi32, #tpu.memory_space<vmem>>, vector<16xi32>, vector<16xi1>
    %swap3A_290 = arith.index_cast %add3A_264 : i32 to index
    %swap3A_291 = tpu.vector_load %arg8[%swap3A_290] masked %eq3A_271 {strides = array<i32>} : memref<272xi32, #tpu.memory_space<vmem>>, vector<16xi32>, vector<16xi1>
    tpu.vector_store %arg8[%swap3A_290], %min3A_284 masked %eq3A_271 {strides = array<i32>} : memref<272xi32, #tpu.memory_space<vmem>>, vector<16xi32>, vector<16xi1>
    %slice3A_292 = vector.extract_strided_slice %masked_cumsum3A_275 {offsets = [15], sizes = [1], strides = [1]} : vector<16xi32> to vector<1xi32>
    %squeeze3A_293 = vector.extract %slice3A_292[0] : i32 from vector<1xi32>
    %add3A_294 = arith.addi %add3A_264, %squeeze3A_293 : i32
    %add3A_295 = arith.constant 144 : i32
    %add3A_296 = arith.addi %mul3A_2, %add3A_295 : i32
    %get3A_297 = arith.index_cast %add3A_296 : i32 to index
    %get3A_298 = tpu.vector_load %arg6[%get3A_297] {strides = array<i32>} : memref<8192xi32, #tpu.memory_space<vmem>>, vector<16xi32>,
    %eq3A_299 = arith.constant 262144 : i32
    %eq3A_300 = vector.broadcast %eq3A_299 : i32 to vector<16xi32>
    %eq3A_301 = arith.cmpi eq, %get3A_298, %eq3A_300 : vector<16xi32>
    %convert_element_type3A_302 = arith.extui %eq3A_301 : vector<16xi1> to vector<16xi32>
    %broadcast_in_dim3A_303 = arith.constant true
    %broadcast_in_dim3A_304 = vector.broadcast %broadcast_in_dim3A_303 : i1 to vector<16xi1>
    %masked_cumsum3A_305 = tpu.scan <sum>, %convert_element_type3A_302 masked %broadcast_in_dim3A_304 : vector<16xi32>, vector<16xi1> -> vector<16xi32>
    %add3A_306 = arith.addi %reduce_sum3A_29, %add3A_294 : i32
    %add3A_307 = vector.broadcast %add3A_306 : i32 to vector<16xi32>
    %add3A_308 = arith.addi %add3A_307, %masked_cumsum3A_305 : vector<16xi32>
    %sub3A_309 = arith.constant 1 : i32
    %sub3A_310 = vector.broadcast %sub3A_309 : i32 to vector<16xi32>
    %sub3A_311 = arith.subi %add3A_308, %sub3A_310 : vector<16xi32>
    %min3A_312 = arith.constant 1023 : i32
    %min3A_313 = vector.broadcast %min3A_312 : i32 to vector<16xi32>
    %min3A_314 = arith.minsi %sub3A_311, %min3A_313 : vector<16xi32>
    %add3A_315 = arith.constant 144 : i32
    %add3A_316 = vector.broadcast %add3A_315 : i32 to vector<16xi32>
    %add3A_317 = arith.addi %add3A_316, %iota3A : vector<16xi32>
    %swap3A_318 = arith.index_cast %add3A_294 : i32 to index
    %swap3A_319 = tpu.vector_load %arg7[%swap3A_318] masked %eq3A_301 {strides = array<i32>} : memref<272xi32, #tpu.memory_space<vmem>>, vector<16xi32>, vector<16xi1>
    tpu.vector_store %arg7[%swap3A_318], %add3A_317 masked %eq3A_301 {strides = array<i32>} : memref<272xi32, #tpu.memory_space<vmem>>, vector<16xi32>, vector<16xi1>
    %swap3A_320 = arith.index_cast %add3A_294 : i32 to index
    %swap3A_321 = tpu.vector_load %arg8[%swap3A_320] masked %eq3A_301 {strides = array<i32>} : memref<272xi32, #tpu.memory_space<vmem>>, vector<16xi32>, vector<16xi1>
    tpu.vector_store %arg8[%swap3A_320], %min3A_314 masked %eq3A_301 {strides = array<i32>} : memref<272xi32, #tpu.memory_space<vmem>>, vector<16xi32>, vector<16xi1>
    %slice3A_322 = vector.extract_strided_slice %masked_cumsum3A_305 {offsets = [15], sizes = [1], strides = [1]} : vector<16xi32> to vector<1xi32>
    %squeeze3A_323 = vector.extract %slice3A_322[0] : i32 from vector<1xi32>
    %add3A_324 = arith.addi %add3A_294, %squeeze3A_323 : i32
    %add3A_325 = arith.constant 160 : i32
    %add3A_326 = arith.addi %mul3A_2, %add3A_325 : i32
    %get3A_327 = arith.index_cast %add3A_326 : i32 to index
    %get3A_328 = tpu.vector_load %arg6[%get3A_327] {strides = array<i32>} : memref<8192xi32, #tpu.memory_space<vmem>>, vector<16xi32>,
    %eq3A_329 = arith.constant 262144 : i32
    %eq3A_330 = vector.broadcast %eq3A_329 : i32 to vector<16xi32>
    %eq3A_331 = arith.cmpi eq, %get3A_328, %eq3A_330 : vector<16xi32>
    %convert_element_type3A_332 = arith.extui %eq3A_331 : vector<16xi1> to vector<16xi32>
    %broadcast_in_dim3A_333 = arith.constant true
    %broadcast_in_dim3A_334 = vector.broadcast %broadcast_in_dim3A_333 : i1 to vector<16xi1>
    %masked_cumsum3A_335 = tpu.scan <sum>, %convert_element_type3A_332 masked %broadcast_in_dim3A_334 : vector<16xi32>, vector<16xi1> -> vector<16xi32>
    %add3A_336 = arith.addi %reduce_sum3A_29, %add3A_324 : i32
    %add3A_337 = vector.broadcast %add3A_336 : i32 to vector<16xi32>
    %add3A_338 = arith.addi %add3A_337, %masked_cumsum3A_335 : vector<16xi32>
    %sub3A_339 = arith.constant 1 : i32
    %sub3A_340 = vector.broadcast %sub3A_339 : i32 to vector<16xi32>
    %sub3A_341 = arith.subi %add3A_338, %sub3A_340 : vector<16xi32>
    %min3A_342 = arith.constant 1023 : i32
    %min3A_343 = vector.broadcast %min3A_342 : i32 to vector<16xi32>
    %min3A_344 = arith.minsi %sub3A_341, %min3A_343 : vector<16xi32>
    %add3A_345 = arith.constant 160 : i32
    %add3A_346 = vector.broadcast %add3A_345 : i32 to vector<16xi32>
    %add3A_347 = arith.addi %add3A_346, %iota3A : vector<16xi32>
    %swap3A_348 = arith.index_cast %add3A_324 : i32 to index
    %swap3A_349 = tpu.vector_load %arg7[%swap3A_348] masked %eq3A_331 {strides = array<i32>} : memref<272xi32, #tpu.memory_space<vmem>>, vector<16xi32>, vector<16xi1>
    tpu.vector_store %arg7[%swap3A_348], %add3A_347 masked %eq3A_331 {strides = array<i32>} : memref<272xi32, #tpu.memory_space<vmem>>, vector<16xi32>, vector<16xi1>
    %swap3A_350 = arith.index_cast %add3A_324 : i32 to index
    %swap3A_351 = tpu.vector_load %arg8[%swap3A_350] masked %eq3A_331 {strides = array<i32>} : memref<272xi32, #tpu.memory_space<vmem>>, vector<16xi32>, vector<16xi1>
    tpu.vector_store %arg8[%swap3A_350], %min3A_344 masked %eq3A_331 {strides = array<i32>} : memref<272xi32, #tpu.memory_space<vmem>>, vector<16xi32>, vector<16xi1>
    %slice3A_352 = vector.extract_strided_slice %masked_cumsum3A_335 {offsets = [15], sizes = [1], strides = [1]} : vector<16xi32> to vector<1xi32>
    %squeeze3A_353 = vector.extract %slice3A_352[0] : i32 from vector<1xi32>
    %add3A_354 = arith.addi %add3A_324, %squeeze3A_353 : i32
    %add3A_355 = arith.constant 176 : i32
    %add3A_356 = arith.addi %mul3A_2, %add3A_355 : i32
    %get3A_357 = arith.index_cast %add3A_356 : i32 to index
    %get3A_358 = tpu.vector_load %arg6[%get3A_357] {strides = array<i32>} : memref<8192xi32, #tpu.memory_space<vmem>>, vector<16xi32>,
    %eq3A_359 = arith.constant 262144 : i32
    %eq3A_360 = vector.broadcast %eq3A_359 : i32 to vector<16xi32>
    %eq3A_361 = arith.cmpi eq, %get3A_358, %eq3A_360 : vector<16xi32>
    %convert_element_type3A_362 = arith.extui %eq3A_361 : vector<16xi1> to vector<16xi32>
    %broadcast_in_dim3A_363 = arith.constant true
    %broadcast_in_dim3A_364 = vector.broadcast %broadcast_in_dim3A_363 : i1 to vector<16xi1>
    %masked_cumsum3A_365 = tpu.scan <sum>, %convert_element_type3A_362 masked %broadcast_in_dim3A_364 : vector<16xi32>, vector<16xi1> -> vector<16xi32>
    %add3A_366 = arith.addi %reduce_sum3A_29, %add3A_354 : i32
    %add3A_367 = vector.broadcast %add3A_366 : i32 to vector<16xi32>
    %add3A_368 = arith.addi %add3A_367, %masked_cumsum3A_365 : vector<16xi32>
    %sub3A_369 = arith.constant 1 : i32
    %sub3A_370 = vector.broadcast %sub3A_369 : i32 to vector<16xi32>
    %sub3A_371 = arith.subi %add3A_368, %sub3A_370 : vector<16xi32>
    %min3A_372 = arith.constant 1023 : i32
    %min3A_373 = vector.broadcast %min3A_372 : i32 to vector<16xi32>
    %min3A_374 = arith.minsi %sub3A_371, %min3A_373 : vector<16xi32>
    %add3A_375 = arith.constant 176 : i32
    %add3A_376 = vector.broadcast %add3A_375 : i32 to vector<16xi32>
    %add3A_377 = arith.addi %add3A_376, %iota3A : vector<16xi32>
    %swap3A_378 = arith.index_cast %add3A_354 : i32 to index
    %swap3A_379 = tpu.vector_load %arg7[%swap3A_378] masked %eq3A_361 {strides = array<i32>} : memref<272xi32, #tpu.memory_space<vmem>>, vector<16xi32>, vector<16xi1>
    tpu.vector_store %arg7[%swap3A_378], %add3A_377 masked %eq3A_361 {strides = array<i32>} : memref<272xi32, #tpu.memory_space<vmem>>, vector<16xi32>, vector<16xi1>
    %swap3A_380 = arith.index_cast %add3A_354 : i32 to index
    %swap3A_381 = tpu.vector_load %arg8[%swap3A_380] masked %eq3A_361 {strides = array<i32>} : memref<272xi32, #tpu.memory_space<vmem>>, vector<16xi32>, vector<16xi1>
    tpu.vector_store %arg8[%swap3A_380], %min3A_374 masked %eq3A_361 {strides = array<i32>} : memref<272xi32, #tpu.memory_space<vmem>>, vector<16xi32>, vector<16xi1>
    %slice3A_382 = vector.extract_strided_slice %masked_cumsum3A_365 {offsets = [15], sizes = [1], strides = [1]} : vector<16xi32> to vector<1xi32>
    %squeeze3A_383 = vector.extract %slice3A_382[0] : i32 from vector<1xi32>
    %add3A_384 = arith.addi %add3A_354, %squeeze3A_383 : i32
    %add3A_385 = arith.constant 192 : i32
    %add3A_386 = arith.addi %mul3A_2, %add3A_385 : i32
    %get3A_387 = arith.index_cast %add3A_386 : i32 to index
    %get3A_388 = tpu.vector_load %arg6[%get3A_387] {strides = array<i32>} : memref<8192xi32, #tpu.memory_space<vmem>>, vector<16xi32>,
    %eq3A_389 = arith.constant 262144 : i32
    %eq3A_390 = vector.broadcast %eq3A_389 : i32 to vector<16xi32>
    %eq3A_391 = arith.cmpi eq, %get3A_388, %eq3A_390 : vector<16xi32>
    %convert_element_type3A_392 = arith.extui %eq3A_391 : vector<16xi1> to vector<16xi32>
    %broadcast_in_dim3A_393 = arith.constant true
    %broadcast_in_dim3A_394 = vector.broadcast %broadcast_in_dim3A_393 : i1 to vector<16xi1>
    %masked_cumsum3A_395 = tpu.scan <sum>, %convert_element_type3A_392 masked %broadcast_in_dim3A_394 : vector<16xi32>, vector<16xi1> -> vector<16xi32>
    %add3A_396 = arith.addi %reduce_sum3A_29, %add3A_384 : i32
    %add3A_397 = vector.broadcast %add3A_396 : i32 to vector<16xi32>
    %add3A_398 = arith.addi %add3A_397, %masked_cumsum3A_395 : vector<16xi32>
    %sub3A_399 = arith.constant 1 : i32
    %sub3A_400 = vector.broadcast %sub3A_399 : i32 to vector<16xi32>
    %sub3A_401 = arith.subi %add3A_398, %sub3A_400 : vector<16xi32>
    %min3A_402 = arith.constant 1023 : i32
    %min3A_403 = vector.broadcast %min3A_402 : i32 to vector<16xi32>
    %min3A_404 = arith.minsi %sub3A_401, %min3A_403 : vector<16xi32>
    %add3A_405 = arith.constant 192 : i32
    %add3A_406 = vector.broadcast %add3A_405 : i32 to vector<16xi32>
    %add3A_407 = arith.addi %add3A_406, %iota3A : vector<16xi32>
    %swap3A_408 = arith.index_cast %add3A_384 : i32 to index
    %swap3A_409 = tpu.vector_load %arg7[%swap3A_408] masked %eq3A_391 {strides = array<i32>} : memref<272xi32, #tpu.memory_space<vmem>>, vector<16xi32>, vector<16xi1>
    tpu.vector_store %arg7[%swap3A_408], %add3A_407 masked %eq3A_391 {strides = array<i32>} : memref<272xi32, #tpu.memory_space<vmem>>, vector<16xi32>, vector<16xi1>
    %swap3A_410 = arith.index_cast %add3A_384 : i32 to index
    %swap3A_411 = tpu.vector_load %arg8[%swap3A_410] masked %eq3A_391 {strides = array<i32>} : memref<272xi32, #tpu.memory_space<vmem>>, vector<16xi32>, vector<16xi1>
    tpu.vector_store %arg8[%swap3A_410], %min3A_404 masked %eq3A_391 {strides = array<i32>} : memref<272xi32, #tpu.memory_space<vmem>>, vector<16xi32>, vector<16xi1>
    %slice3A_412 = vector.extract_strided_slice %masked_cumsum3A_395 {offsets = [15], sizes = [1], strides = [1]} : vector<16xi32> to vector<1xi32>
    %squeeze3A_413 = vector.extract %slice3A_412[0] : i32 from vector<1xi32>
    %add3A_414 = arith.addi %add3A_384, %squeeze3A_413 : i32
    %add3A_415 = arith.constant 208 : i32
    %add3A_416 = arith.addi %mul3A_2, %add3A_415 : i32
    %get3A_417 = arith.index_cast %add3A_416 : i32 to index
    %get3A_418 = tpu.vector_load %arg6[%get3A_417] {strides = array<i32>} : memref<8192xi32, #tpu.memory_space<vmem>>, vector<16xi32>,
    %eq3A_419 = arith.constant 262144 : i32
    %eq3A_420 = vector.broadcast %eq3A_419 : i32 to vector<16xi32>
    %eq3A_421 = arith.cmpi eq, %get3A_418, %eq3A_420 : vector<16xi32>
    %convert_element_type3A_422 = arith.extui %eq3A_421 : vector<16xi1> to vector<16xi32>
    %broadcast_in_dim3A_423 = arith.constant true
    %broadcast_in_dim3A_424 = vector.broadcast %broadcast_in_dim3A_423 : i1 to vector<16xi1>
    %masked_cumsum3A_425 = tpu.scan <sum>, %convert_element_type3A_422 masked %broadcast_in_dim3A_424 : vector<16xi32>, vector<16xi1> -> vector<16xi32>
    %add3A_426 = arith.addi %reduce_sum3A_29, %add3A_414 : i32
    %add3A_427 = vector.broadcast %add3A_426 : i32 to vector<16xi32>
    %add3A_428 = arith.addi %add3A_427, %masked_cumsum3A_425 : vector<16xi32>
    %sub3A_429 = arith.constant 1 : i32
    %sub3A_430 = vector.broadcast %sub3A_429 : i32 to vector<16xi32>
    %sub3A_431 = arith.subi %add3A_428, %sub3A_430 : vector<16xi32>
    %min3A_432 = arith.constant 1023 : i32
    %min3A_433 = vector.broadcast %min3A_432 : i32 to vector<16xi32>
    %min3A_434 = arith.minsi %sub3A_431, %min3A_433 : vector<16xi32>
    %add3A_435 = arith.constant 208 : i32
    %add3A_436 = vector.broadcast %add3A_435 : i32 to vector<16xi32>
    %add3A_437 = arith.addi %add3A_436, %iota3A : vector<16xi32>
    %swap3A_438 = arith.index_cast %add3A_414 : i32 to index
    %swap3A_439 = tpu.vector_load %arg7[%swap3A_438] masked %eq3A_421 {strides = array<i32>} : memref<272xi32, #tpu.memory_space<vmem>>, vector<16xi32>, vector<16xi1>
    tpu.vector_store %arg7[%swap3A_438], %add3A_437 masked %eq3A_421 {strides = array<i32>} : memref<272xi32, #tpu.memory_space<vmem>>, vector<16xi32>, vector<16xi1>
    %swap3A_440 = arith.index_cast %add3A_414 : i32 to index
    %swap3A_441 = tpu.vector_load %arg8[%swap3A_440] masked %eq3A_421 {strides = array<i32>} : memref<272xi32, #tpu.memory_space<vmem>>, vector<16xi32>, vector<16xi1>
    tpu.vector_store %arg8[%swap3A_440], %min3A_434 masked %eq3A_421 {strides = array<i32>} : memref<272xi32, #tpu.memory_space<vmem>>, vector<16xi32>, vector<16xi1>
    %slice3A_442 = vector.extract_strided_slice %masked_cumsum3A_425 {offsets = [15], sizes = [1], strides = [1]} : vector<16xi32> to vector<1xi32>
    %squeeze3A_443 = vector.extract %slice3A_442[0] : i32 from vector<1xi32>
    %add3A_444 = arith.addi %add3A_414, %squeeze3A_443 : i32
    %add3A_445 = arith.constant 224 : i32
    %add3A_446 = arith.addi %mul3A_2, %add3A_445 : i32
    %get3A_447 = arith.index_cast %add3A_446 : i32 to index
    %get3A_448 = tpu.vector_load %arg6[%get3A_447] {strides = array<i32>} : memref<8192xi32, #tpu.memory_space<vmem>>, vector<16xi32>,
    %eq3A_449 = arith.constant 262144 : i32
    %eq3A_450 = vector.broadcast %eq3A_449 : i32 to vector<16xi32>
    %eq3A_451 = arith.cmpi eq, %get3A_448, %eq3A_450 : vector<16xi32>
    %convert_element_type3A_452 = arith.extui %eq3A_451 : vector<16xi1> to vector<16xi32>
    %broadcast_in_dim3A_453 = arith.constant true
    %broadcast_in_dim3A_454 = vector.broadcast %broadcast_in_dim3A_453 : i1 to vector<16xi1>
    %masked_cumsum3A_455 = tpu.scan <sum>, %convert_element_type3A_452 masked %broadcast_in_dim3A_454 : vector<16xi32>, vector<16xi1> -> vector<16xi32>
    %add3A_456 = arith.addi %reduce_sum3A_29, %add3A_444 : i32
    %add3A_457 = vector.broadcast %add3A_456 : i32 to vector<16xi32>
    %add3A_458 = arith.addi %add3A_457, %masked_cumsum3A_455 : vector<16xi32>
    %sub3A_459 = arith.constant 1 : i32
    %sub3A_460 = vector.broadcast %sub3A_459 : i32 to vector<16xi32>
    %sub3A_461 = arith.subi %add3A_458, %sub3A_460 : vector<16xi32>
    %min3A_462 = arith.constant 1023 : i32
    %min3A_463 = vector.broadcast %min3A_462 : i32 to vector<16xi32>
    %min3A_464 = arith.minsi %sub3A_461, %min3A_463 : vector<16xi32>
    %add3A_465 = arith.constant 224 : i32
    %add3A_466 = vector.broadcast %add3A_465 : i32 to vector<16xi32>
    %add3A_467 = arith.addi %add3A_466, %iota3A : vector<16xi32>
    %swap3A_468 = arith.index_cast %add3A_444 : i32 to index
    %swap3A_469 = tpu.vector_load %arg7[%swap3A_468] masked %eq3A_451 {strides = array<i32>} : memref<272xi32, #tpu.memory_space<vmem>>, vector<16xi32>, vector<16xi1>
    tpu.vector_store %arg7[%swap3A_468], %add3A_467 masked %eq3A_451 {strides = array<i32>} : memref<272xi32, #tpu.memory_space<vmem>>, vector<16xi32>, vector<16xi1>
    %swap3A_470 = arith.index_cast %add3A_444 : i32 to index
    %swap3A_471 = tpu.vector_load %arg8[%swap3A_470] masked %eq3A_451 {strides = array<i32>} : memref<272xi32, #tpu.memory_space<vmem>>, vector<16xi32>, vector<16xi1>
    tpu.vector_store %arg8[%swap3A_470], %min3A_464 masked %eq3A_451 {strides = array<i32>} : memref<272xi32, #tpu.memory_space<vmem>>, vector<16xi32>, vector<16xi1>
    %slice3A_472 = vector.extract_strided_slice %masked_cumsum3A_455 {offsets = [15], sizes = [1], strides = [1]} : vector<16xi32> to vector<1xi32>
    %squeeze3A_473 = vector.extract %slice3A_472[0] : i32 from vector<1xi32>
    %add3A_474 = arith.addi %add3A_444, %squeeze3A_473 : i32
    %add3A_475 = arith.constant 240 : i32
    %add3A_476 = arith.addi %mul3A_2, %add3A_475 : i32
    %get3A_477 = arith.index_cast %add3A_476 : i32 to index
    %get3A_478 = tpu.vector_load %arg6[%get3A_477] {strides = array<i32>} : memref<8192xi32, #tpu.memory_space<vmem>>, vector<16xi32>,
    %eq3A_479 = arith.constant 262144 : i32
    %eq3A_480 = vector.broadcast %eq3A_479 : i32 to vector<16xi32>
    %eq3A_481 = arith.cmpi eq, %get3A_478, %eq3A_480 : vector<16xi32>
    %convert_element_type3A_482 = arith.extui %eq3A_481 : vector<16xi1> to vector<16xi32>
    %broadcast_in_dim3A_483 = arith.constant true
    %broadcast_in_dim3A_484 = vector.broadcast %broadcast_in_dim3A_483 : i1 to vector<16xi1>
    %masked_cumsum3A_485 = tpu.scan <sum>, %convert_element_type3A_482 masked %broadcast_in_dim3A_484 : vector<16xi32>, vector<16xi1> -> vector<16xi32>
    %add3A_486 = arith.addi %reduce_sum3A_29, %add3A_474 : i32
    %add3A_487 = vector.broadcast %add3A_486 : i32 to vector<16xi32>
    %add3A_488 = arith.addi %add3A_487, %masked_cumsum3A_485 : vector<16xi32>
    %sub3A_489 = arith.constant 1 : i32
    %sub3A_490 = vector.broadcast %sub3A_489 : i32 to vector<16xi32>
    %sub3A_491 = arith.subi %add3A_488, %sub3A_490 : vector<16xi32>
    %min3A_492 = arith.constant 1023 : i32
    %min3A_493 = vector.broadcast %min3A_492 : i32 to vector<16xi32>
    %min3A_494 = arith.minsi %sub3A_491, %min3A_493 : vector<16xi32>
    %add3A_495 = arith.constant 240 : i32
    %add3A_496 = vector.broadcast %add3A_495 : i32 to vector<16xi32>
    %add3A_497 = arith.addi %add3A_496, %iota3A : vector<16xi32>
    %swap3A_498 = arith.index_cast %add3A_474 : i32 to index
    %swap3A_499 = tpu.vector_load %arg7[%swap3A_498] masked %eq3A_481 {strides = array<i32>} : memref<272xi32, #tpu.memory_space<vmem>>, vector<16xi32>, vector<16xi1>
    tpu.vector_store %arg7[%swap3A_498], %add3A_497 masked %eq3A_481 {strides = array<i32>} : memref<272xi32, #tpu.memory_space<vmem>>, vector<16xi32>, vector<16xi1>
    %swap3A_500 = arith.index_cast %add3A_474 : i32 to index
    %swap3A_501 = tpu.vector_load %arg8[%swap3A_500] masked %eq3A_481 {strides = array<i32>} : memref<272xi32, #tpu.memory_space<vmem>>, vector<16xi32>, vector<16xi1>
    tpu.vector_store %arg8[%swap3A_500], %min3A_494 masked %eq3A_481 {strides = array<i32>} : memref<272xi32, #tpu.memory_space<vmem>>, vector<16xi32>, vector<16xi1>
    %slice3A_502 = vector.extract_strided_slice %masked_cumsum3A_485 {offsets = [15], sizes = [1], strides = [1]} : vector<16xi32> to vector<1xi32>
    %squeeze3A_503 = vector.extract %slice3A_502[0] : i32 from vector<1xi32>
    %add3A_504 = arith.addi %add3A_474, %squeeze3A_503 : i32
    %dma_wait3A = tpu.memref_slice %arg6[%add3A_4] : memref<8192xi32, #tpu.memory_space<vmem>> -> memref<64xi32, #tpu.memory_space<vmem>>
    %dma_wait3A_505 = arith.constant 0 : i32
    %dma_wait3A_506 = arith.constant 0 : i32
    %dma_wait3A_507 = tpu.memref_slice %arg4[%dma_wait3A_505, %dma_wait3A_506] : memref<262208x768xf32, #tpu.memory_space<hbm>> -> memref<262208x768xf32, #tpu.memory_space<hbm>>
    tpu.wait_indirect_dma semaphore(%arg11 : memref<!tpu.dma_semaphore, #tpu.memory_space<semaphore_mem>>) src(%dma_wait3A_507 : memref<262208x768xf32, #tpu.memory_space<hbm>>) dst(%arg9 : memref<64x768xf32, #tpu.memory_space<vmem>>)
    %while3A_508 = arith.constant 0 : i32
    %while3A_509 = arith.constant 0 : i32
    %while3A_510 = arith.subi %add3A_144, %while3A_508 : i32
    %while3A_511 = arith.addi %while3A_508, %while3A_510 : i32
    %while3A_512 = arith.constant 1 : i32
    %while3A_513 = arith.divsi %while3A_510, %while3A_512 : i32
    %while3A_514 = arith.muli %while3A_513, %while3A_512 : i32
    %while3A_515 = arith.addi %while3A_508, %while3A_514 : i32
    %while3A_516 = arith.constant 1 : i32
    %while3A_517 = scf.for %while3A_585 = %while3A_508 to %while3A_515 step %while3A_516 iter_args(%while3A_586 = %while3A_509) -> (i32)  : i32 {
      %get3A_587 = arith.index_cast %while3A_585 : i32 to index
      %get3A_588 = tpu.vector_load %arg7[%get3A_587] {strides = array<i32>} : memref<272xi32, #tpu.memory_space<vmem>>, vector<16xi32>,
      %slice3A_589 = vector.extract_strided_slice %get3A_588 {offsets = [0], sizes = [1], strides = [1]} : vector<16xi32> to vector<1xi32>
      %squeeze3A_590 = vector.extract %slice3A_589[0] : i32 from vector<1xi32>
      %get3A_591 = arith.index_cast %while3A_585 : i32 to index
      %get3A_592 = tpu.vector_load %arg8[%get3A_591] {strides = array<i32>} : memref<272xi32, #tpu.memory_space<vmem>>, vector<16xi32>,
      %slice3A_593 = vector.extract_strided_slice %get3A_592 {offsets = [0], sizes = [1], strides = [1]} : vector<16xi32> to vector<1xi32>
      %squeeze3A_594 = vector.extract %slice3A_593[0] : i32 from vector<1xi32>
      %sub3A_595 = arith.constant 0 : i32
      %sub3A_596 = arith.subi %squeeze3A_590, %sub3A_595 : i32
      "tpu.region"() ({
        %run_scoped3A = tpu.sem_alloc : memref<!tpu.dma_semaphore, #tpu.memory_space<semaphore_mem>>
        %dma_start3A_598 = arith.constant 0 : i32
        %dma_start3A_599 = tpu.memref_slice %arg9[%sub3A_596, %dma_start3A_598] : memref<64x768xf32, #tpu.memory_space<vmem>> -> memref<1x768xf32, #tpu.memory_space<vmem>>
        %dma_start3A_600 = arith.constant 0 : i32
        %dma_start3A_601 = tpu.memref_slice %arg3[%squeeze3A_594, %dma_start3A_600] : memref<1024x768xf32, #tpu.memory_space<hbm>> -> memref<1x768xf32, #tpu.memory_space<hbm>>
        %dma_start3A_602 = arith.constant 0 : i32
        %dma_start3A_603 = tpu.memref_slice %arg9[%sub3A_596, %dma_start3A_602] : memref<64x768xf32, #tpu.memory_space<vmem>> -> memref<1x768xf32, #tpu.memory_space<vmem>>
        %dma_start3A_604 = arith.constant 0 : i32
        %dma_start3A_605 = tpu.memref_slice %arg3[%squeeze3A_594, %dma_start3A_604] : memref<1024x768xf32, #tpu.memory_space<hbm>> -> memref<1x768xf32, #tpu.memory_space<hbm>>
        tpu.enqueue_dma source(%dma_start3A_605 : memref<1x768xf32, #tpu.memory_space<hbm>>) target(%dma_start3A_603 : memref<1x768xf32, #tpu.memory_space<vmem>>) target_semaphore(%run_scoped3A : memref<!tpu.dma_semaphore, #tpu.memory_space<semaphore_mem>>)
        %dma_wait3A_606 = arith.constant 0 : i32
        %dma_wait3A_607 = tpu.memref_slice %arg9[%sub3A_596, %dma_wait3A_606] : memref<64x768xf32, #tpu.memory_space<vmem>> -> memref<1x768xf32, #tpu.memory_space<vmem>>
        %dma_wait3A_608 = arith.constant 0 : i32
        %dma_wait3A_609 = tpu.memref_slice %arg3[%squeeze3A_594, %dma_wait3A_608] : memref<1024x768xf32, #tpu.memory_space<hbm>> -> memref<1x768xf32, #tpu.memory_space<hbm>>
        %dma_wait3A_610 = arith.constant 0 : i32
        %dma_wait3A_611 = tpu.memref_slice %arg9[%sub3A_596, %dma_wait3A_610] : memref<64x768xf32, #tpu.memory_space<vmem>> -> memref<1x768xf32, #tpu.memory_space<vmem>>
        %dma_wait3A_612 = arith.constant 0 : i32
        %dma_wait3A_613 = tpu.memref_slice %arg3[%squeeze3A_594, %dma_wait3A_612] : memref<1024x768xf32, #tpu.memory_space<hbm>> -> memref<1x768xf32, #tpu.memory_space<hbm>>
        tpu.wait_dma2 semaphore(%run_scoped3A : memref<!tpu.dma_semaphore, #tpu.memory_space<semaphore_mem>>) src(%dma_wait3A_613 : memref<1x768xf32, #tpu.memory_space<hbm>>) dst(%dma_wait3A_611 : memref<1x768xf32, #tpu.memory_space<vmem>>)
        tpu.yield
      }) : () -> ()
      %while3A_597 = arith.constant 0 : i32
      scf.yield %while3A_597 : i32
    }
    %while3A_518 = arith.constant 1 : i32
    %while3A_519 = scf.for %while3A_585 = %while3A_515 to %while3A_511 step %while3A_518 iter_args(%while3A_586 = %while3A_517) -> (i32)  : i32 {
      %get3A_587 = arith.index_cast %while3A_585 : i32 to index
      %get3A_588 = tpu.vector_load %arg7[%get3A_587] {strides = array<i32>} : memref<272xi32, #tpu.memory_space<vmem>>, vector<16xi32>,
      %slice3A_589 = vector.extract_strided_slice %get3A_588 {offsets = [0], sizes = [1], strides = [1]} : vector<16xi32> to vector<1xi32>
      %squeeze3A_590 = vector.extract %slice3A_589[0] : i32 from vector<1xi32>
      %get3A_591 = arith.index_cast %while3A_585 : i32 to index
      %get3A_592 = tpu.vector_load %arg8[%get3A_591] {strides = array<i32>} : memref<272xi32, #tpu.memory_space<vmem>>, vector<16xi32>,
      %slice3A_593 = vector.extract_strided_slice %get3A_592 {offsets = [0], sizes = [1], strides = [1]} : vector<16xi32> to vector<1xi32>
      %squeeze3A_594 = vector.extract %slice3A_593[0] : i32 from vector<1xi32>
      %sub3A_595 = arith.constant 0 : i32
      %sub3A_596 = arith.subi %squeeze3A_590, %sub3A_595 : i32
      "tpu.region"() ({
        %run_scoped3A = tpu.sem_alloc : memref<!tpu.dma_semaphore, #tpu.memory_space<semaphore_mem>>
        %dma_start3A_598 = arith.constant 0 : i32
        %dma_start3A_599 = tpu.memref_slice %arg9[%sub3A_596, %dma_start3A_598] : memref<64x768xf32, #tpu.memory_space<vmem>> -> memref<1x768xf32, #tpu.memory_space<vmem>>
        %dma_start3A_600 = arith.constant 0 : i32
        %dma_start3A_601 = tpu.memref_slice %arg3[%squeeze3A_594, %dma_start3A_600] : memref<1024x768xf32, #tpu.memory_space<hbm>> -> memref<1x768xf32, #tpu.memory_space<hbm>>
        %dma_start3A_602 = arith.constant 0 : i32
        %dma_start3A_603 = tpu.memref_slice %arg9[%sub3A_596, %dma_start3A_602] : memref<64x768xf32, #tpu.memory_space<vmem>> -> memref<1x768xf32, #tpu.memory_space<vmem>>
        %dma_start3A_604 = arith.constant 0 : i32
        %dma_start3A_605 = tpu.memref_slice %arg3[%squeeze3A_594, %dma_start3A_604] : memref<1024x768xf32, #tpu.memory_space<hbm>> -> memref<1x768xf32, #tpu.memory_space<hbm>>
        tpu.enqueue_dma source(%dma_start3A_605 : memref<1x768xf32, #tpu.memory_space<hbm>>) target(%dma_start3A_603 : memref<1x768xf32, #tpu.memory_space<vmem>>) target_semaphore(%run_scoped3A : memref<!tpu.dma_semaphore, #tpu.memory_space<semaphore_mem>>)
        %dma_wait3A_606 = arith.constant 0 : i32
        %dma_wait3A_607 = tpu.memref_slice %arg9[%sub3A_596, %dma_wait3A_606] : memref<64x768xf32, #tpu.memory_space<vmem>> -> memref<1x768xf32, #tpu.memory_space<vmem>>
        %dma_wait3A_608 = arith.constant 0 : i32
        %dma_wait3A_609 = tpu.memref_slice %arg3[%squeeze3A_594, %dma_wait3A_608] : memref<1024x768xf32, #tpu.memory_space<hbm>> -> memref<1x768xf32, #tpu.memory_space<hbm>>
        %dma_wait3A_610 = arith.constant 0 : i32
        %dma_wait3A_611 = tpu.memref_slice %arg9[%sub3A_596, %dma_wait3A_610] : memref<64x768xf32, #tpu.memory_space<vmem>> -> memref<1x768xf32, #tpu.memory_space<vmem>>
        %dma_wait3A_612 = arith.constant 0 : i32
        %dma_wait3A_613 = tpu.memref_slice %arg3[%squeeze3A_594, %dma_wait3A_612] : memref<1024x768xf32, #tpu.memory_space<hbm>> -> memref<1x768xf32, #tpu.memory_space<hbm>>
        tpu.wait_dma2 semaphore(%run_scoped3A : memref<!tpu.dma_semaphore, #tpu.memory_space<semaphore_mem>>) src(%dma_wait3A_613 : memref<1x768xf32, #tpu.memory_space<hbm>>) dst(%dma_wait3A_611 : memref<1x768xf32, #tpu.memory_space<vmem>>)
        tpu.yield
      }) : () -> ()
      %while3A_597 = arith.constant 0 : i32
      scf.yield %while3A_597 : i32
    }
    %add3A_520 = arith.constant 0 : i32
    %add3A_521 = arith.addi %mul3A_2, %add3A_520 : i32
    "tpu.region"() ({
      %run_scoped3A = tpu.sem_alloc : memref<!tpu.dma_semaphore, #tpu.memory_space<semaphore_mem>>
      %dma_start3A_585 = arith.constant 0 : i32
      %dma_start3A_586 = tpu.memref_slice %arg5[%add3A_521, %dma_start3A_585] : memref<8192x768xf32, #tpu.memory_space<hbm>> -> memref<64x768xf32, #tpu.memory_space<hbm>>
      %dma_start3A_587 = arith.constant 0 : i32
      %dma_start3A_588 = tpu.memref_slice %arg5[%add3A_521, %dma_start3A_587] : memref<8192x768xf32, #tpu.memory_space<hbm>> -> memref<64x768xf32, #tpu.memory_space<hbm>>
      tpu.enqueue_dma source(%arg9 : memref<64x768xf32, #tpu.memory_space<vmem>>) target(%dma_start3A_588 : memref<64x768xf32, #tpu.memory_space<hbm>>) target_semaphore(%run_scoped3A : memref<!tpu.dma_semaphore, #tpu.memory_space<semaphore_mem>>)
      %dma_wait3A_589 = arith.constant 0 : i32
      %dma_wait3A_590 = tpu.memref_slice %arg5[%add3A_521, %dma_wait3A_589] : memref<8192x768xf32, #tpu.memory_space<hbm>> -> memref<64x768xf32, #tpu.memory_space<hbm>>
      %dma_wait3A_591 = arith.constant 0 : i32
      %dma_wait3A_592 = tpu.memref_slice %arg5[%add3A_521, %dma_wait3A_591] : memref<8192x768xf32, #tpu.memory_space<hbm>> -> memref<64x768xf32, #tpu.memory_space<hbm>>
      tpu.wait_dma2 semaphore(%run_scoped3A : memref<!tpu.dma_semaphore, #tpu.memory_space<semaphore_mem>>) src(%arg9 : memref<64x768xf32, #tpu.memory_space<vmem>>) dst(%dma_wait3A_592 : memref<64x768xf32, #tpu.memory_space<hbm>>)
      tpu.yield
    }) : () -> ()
    %add3A_522 = arith.constant 128 : i32
    %add3A_523 = arith.addi %mul3A_2, %add3A_522 : i32
    %dma_start3A_524 = tpu.memref_slice %arg6[%add3A_523] : memref<8192xi32, #tpu.memory_space<vmem>> -> memref<64xi32, #tpu.memory_space<vmem>>
    %dma_start3A_525 = arith.constant 0 : i32
    %dma_start3A_526 = arith.constant 0 : i32
    %dma_start3A_527 = tpu.memref_slice %arg4[%dma_start3A_525, %dma_start3A_526] : memref<262208x768xf32, #tpu.memory_space<hbm>> -> memref<262208x768xf32, #tpu.memory_space<hbm>>
    tpu.enqueue_indirect_dma source(%dma_start3A_527 : memref<262208x768xf32, #tpu.memory_space<hbm>>) target(%arg9 : memref<64x768xf32, #tpu.memory_space<vmem>>) offsets(%dma_start3A_524 : memref<64xi32, #tpu.memory_space<vmem>>) semaphore(%arg11 : memref<!tpu.dma_semaphore, #tpu.memory_space<semaphore_mem>>)
    %dma_wait3A_528 = tpu.memref_slice %arg6[%add3A_9] : memref<8192xi32, #tpu.memory_space<vmem>> -> memref<64xi32, #tpu.memory_space<vmem>>
    %dma_wait3A_529 = arith.constant 0 : i32
    %dma_wait3A_530 = arith.constant 0 : i32
    %dma_wait3A_531 = tpu.memref_slice %arg4[%dma_wait3A_529, %dma_wait3A_530] : memref<262208x768xf32, #tpu.memory_space<hbm>> -> memref<262208x768xf32, #tpu.memory_space<hbm>>
    tpu.wait_indirect_dma semaphore(%arg12 : memref<!tpu.dma_semaphore, #tpu.memory_space<semaphore_mem>>) src(%dma_wait3A_531 : memref<262208x768xf32, #tpu.memory_space<hbm>>) dst(%arg10 : memref<64x768xf32, #tpu.memory_space<vmem>>)
    %while3A_532 = arith.constant 0 : i32
    %while3A_533 = arith.subi %add3A_264, %add3A_144 : i32
    %while3A_534 = arith.addi %add3A_144, %while3A_533 : i32
    %while3A_535 = arith.constant 1 : i32
    %while3A_536 = arith.divsi %while3A_533, %while3A_535 : i32
    %while3A_537 = arith.muli %while3A_536, %while3A_535 : i32
    %while3A_538 = arith.addi %add3A_144, %while3A_537 : i32
    %while3A_539 = arith.constant 1 : i32
    %while3A_540 = scf.for %while3A_585 = %add3A_144 to %while3A_538 step %while3A_539 iter_args(%while3A_586 = %while3A_532) -> (i32)  : i32 {
      %get3A_587 = arith.index_cast %while3A_585 : i32 to index
      %get3A_588 = tpu.vector_load %arg7[%get3A_587] {strides = array<i32>} : memref<272xi32, #tpu.memory_space<vmem>>, vector<16xi32>,
      %slice3A_589 = vector.extract_strided_slice %get3A_588 {offsets = [0], sizes = [1], strides = [1]} : vector<16xi32> to vector<1xi32>
      %squeeze3A_590 = vector.extract %slice3A_589[0] : i32 from vector<1xi32>
      %get3A_591 = arith.index_cast %while3A_585 : i32 to index
      %get3A_592 = tpu.vector_load %arg8[%get3A_591] {strides = array<i32>} : memref<272xi32, #tpu.memory_space<vmem>>, vector<16xi32>,
      %slice3A_593 = vector.extract_strided_slice %get3A_592 {offsets = [0], sizes = [1], strides = [1]} : vector<16xi32> to vector<1xi32>
      %squeeze3A_594 = vector.extract %slice3A_593[0] : i32 from vector<1xi32>
      %sub3A_595 = arith.constant 64 : i32
      %sub3A_596 = arith.subi %squeeze3A_590, %sub3A_595 : i32
      "tpu.region"() ({
        %run_scoped3A = tpu.sem_alloc : memref<!tpu.dma_semaphore, #tpu.memory_space<semaphore_mem>>
        %dma_start3A_598 = arith.constant 0 : i32
        %dma_start3A_599 = tpu.memref_slice %arg10[%sub3A_596, %dma_start3A_598] : memref<64x768xf32, #tpu.memory_space<vmem>> -> memref<1x768xf32, #tpu.memory_space<vmem>>
        %dma_start3A_600 = arith.constant 0 : i32
        %dma_start3A_601 = tpu.memref_slice %arg3[%squeeze3A_594, %dma_start3A_600] : memref<1024x768xf32, #tpu.memory_space<hbm>> -> memref<1x768xf32, #tpu.memory_space<hbm>>
        %dma_start3A_602 = arith.constant 0 : i32
        %dma_start3A_603 = tpu.memref_slice %arg10[%sub3A_596, %dma_start3A_602] : memref<64x768xf32, #tpu.memory_space<vmem>> -> memref<1x768xf32, #tpu.memory_space<vmem>>
        %dma_start3A_604 = arith.constant 0 : i32
        %dma_start3A_605 = tpu.memref_slice %arg3[%squeeze3A_594, %dma_start3A_604] : memref<1024x768xf32, #tpu.memory_space<hbm>> -> memref<1x768xf32, #tpu.memory_space<hbm>>
        tpu.enqueue_dma source(%dma_start3A_605 : memref<1x768xf32, #tpu.memory_space<hbm>>) target(%dma_start3A_603 : memref<1x768xf32, #tpu.memory_space<vmem>>) target_semaphore(%run_scoped3A : memref<!tpu.dma_semaphore, #tpu.memory_space<semaphore_mem>>)
        %dma_wait3A_606 = arith.constant 0 : i32
        %dma_wait3A_607 = tpu.memref_slice %arg10[%sub3A_596, %dma_wait3A_606] : memref<64x768xf32, #tpu.memory_space<vmem>> -> memref<1x768xf32, #tpu.memory_space<vmem>>
        %dma_wait3A_608 = arith.constant 0 : i32
        %dma_wait3A_609 = tpu.memref_slice %arg3[%squeeze3A_594, %dma_wait3A_608] : memref<1024x768xf32, #tpu.memory_space<hbm>> -> memref<1x768xf32, #tpu.memory_space<hbm>>
        %dma_wait3A_610 = arith.constant 0 : i32
        %dma_wait3A_611 = tpu.memref_slice %arg10[%sub3A_596, %dma_wait3A_610] : memref<64x768xf32, #tpu.memory_space<vmem>> -> memref<1x768xf32, #tpu.memory_space<vmem>>
        %dma_wait3A_612 = arith.constant 0 : i32
        %dma_wait3A_613 = tpu.memref_slice %arg3[%squeeze3A_594, %dma_wait3A_612] : memref<1024x768xf32, #tpu.memory_space<hbm>> -> memref<1x768xf32, #tpu.memory_space<hbm>>
        tpu.wait_dma2 semaphore(%run_scoped3A : memref<!tpu.dma_semaphore, #tpu.memory_space<semaphore_mem>>) src(%dma_wait3A_613 : memref<1x768xf32, #tpu.memory_space<hbm>>) dst(%dma_wait3A_611 : memref<1x768xf32, #tpu.memory_space<vmem>>)
        tpu.yield
      }) : () -> ()
      %while3A_597 = arith.constant 0 : i32
      scf.yield %while3A_597 : i32
    }
    %while3A_541 = arith.constant 1 : i32
    %while3A_542 = scf.for %while3A_585 = %while3A_538 to %while3A_534 step %while3A_541 iter_args(%while3A_586 = %while3A_540) -> (i32)  : i32 {
      %get3A_587 = arith.index_cast %while3A_585 : i32 to index
      %get3A_588 = tpu.vector_load %arg7[%get3A_587] {strides = array<i32>} : memref<272xi32, #tpu.memory_space<vmem>>, vector<16xi32>,
      %slice3A_589 = vector.extract_strided_slice %get3A_588 {offsets = [0], sizes = [1], strides = [1]} : vector<16xi32> to vector<1xi32>
      %squeeze3A_590 = vector.extract %slice3A_589[0] : i32 from vector<1xi32>
      %get3A_591 = arith.index_cast %while3A_585 : i32 to index
      %get3A_592 = tpu.vector_load %arg8[%get3A_591] {strides = array<i32>} : memref<272xi32, #tpu.memory_space<vmem>>, vector<16xi32>,
      %slice3A_593 = vector.extract_strided_slice %get3A_592 {offsets = [0], sizes = [1], strides = [1]} : vector<16xi32> to vector<1xi32>
      %squeeze3A_594 = vector.extract %slice3A_593[0] : i32 from vector<1xi32>
      %sub3A_595 = arith.constant 64 : i32
      %sub3A_596 = arith.subi %squeeze3A_590, %sub3A_595 : i32
      "tpu.region"() ({
        %run_scoped3A = tpu.sem_alloc : memref<!tpu.dma_semaphore, #tpu.memory_space<semaphore_mem>>
        %dma_start3A_598 = arith.constant 0 : i32
        %dma_start3A_599 = tpu.memref_slice %arg10[%sub3A_596, %dma_start3A_598] : memref<64x768xf32, #tpu.memory_space<vmem>> -> memref<1x768xf32, #tpu.memory_space<vmem>>
        %dma_start3A_600 = arith.constant 0 : i32
        %dma_start3A_601 = tpu.memref_slice %arg3[%squeeze3A_594, %dma_start3A_600] : memref<1024x768xf32, #tpu.memory_space<hbm>> -> memref<1x768xf32, #tpu.memory_space<hbm>>
        %dma_start3A_602 = arith.constant 0 : i32
        %dma_start3A_603 = tpu.memref_slice %arg10[%sub3A_596, %dma_start3A_602] : memref<64x768xf32, #tpu.memory_space<vmem>> -> memref<1x768xf32, #tpu.memory_space<vmem>>
        %dma_start3A_604 = arith.constant 0 : i32
        %dma_start3A_605 = tpu.memref_slice %arg3[%squeeze3A_594, %dma_start3A_604] : memref<1024x768xf32, #tpu.memory_space<hbm>> -> memref<1x768xf32, #tpu.memory_space<hbm>>
        tpu.enqueue_dma source(%dma_start3A_605 : memref<1x768xf32, #tpu.memory_space<hbm>>) target(%dma_start3A_603 : memref<1x768xf32, #tpu.memory_space<vmem>>) target_semaphore(%run_scoped3A : memref<!tpu.dma_semaphore, #tpu.memory_space<semaphore_mem>>)
        %dma_wait3A_606 = arith.constant 0 : i32
        %dma_wait3A_607 = tpu.memref_slice %arg10[%sub3A_596, %dma_wait3A_606] : memref<64x768xf32, #tpu.memory_space<vmem>> -> memref<1x768xf32, #tpu.memory_space<vmem>>
        %dma_wait3A_608 = arith.constant 0 : i32
        %dma_wait3A_609 = tpu.memref_slice %arg3[%squeeze3A_594, %dma_wait3A_608] : memref<1024x768xf32, #tpu.memory_space<hbm>> -> memref<1x768xf32, #tpu.memory_space<hbm>>
        %dma_wait3A_610 = arith.constant 0 : i32
        %dma_wait3A_611 = tpu.memref_slice %arg10[%sub3A_596, %dma_wait3A_610] : memref<64x768xf32, #tpu.memory_space<vmem>> -> memref<1x768xf32, #tpu.memory_space<vmem>>
        %dma_wait3A_612 = arith.constant 0 : i32
        %dma_wait3A_613 = tpu.memref_slice %arg3[%squeeze3A_594, %dma_wait3A_612] : memref<1024x768xf32, #tpu.memory_space<hbm>> -> memref<1x768xf32, #tpu.memory_space<hbm>>
        tpu.wait_dma2 semaphore(%run_scoped3A : memref<!tpu.dma_semaphore, #tpu.memory_space<semaphore_mem>>) src(%dma_wait3A_613 : memref<1x768xf32, #tpu.memory_space<hbm>>) dst(%dma_wait3A_611 : memref<1x768xf32, #tpu.memory_space<vmem>>)
        tpu.yield
      }) : () -> ()
      %while3A_597 = arith.constant 0 : i32
      scf.yield %while3A_597 : i32
    }
    %add3A_543 = arith.constant 64 : i32
    %add3A_544 = arith.addi %mul3A_2, %add3A_543 : i32
    "tpu.region"() ({
      %run_scoped3A = tpu.sem_alloc : memref<!tpu.dma_semaphore, #tpu.memory_space<semaphore_mem>>
      %dma_start3A_585 = arith.constant 0 : i32
      %dma_start3A_586 = tpu.memref_slice %arg5[%add3A_544, %dma_start3A_585] : memref<8192x768xf32, #tpu.memory_space<hbm>> -> memref<64x768xf32, #tpu.memory_space<hbm>>
      %dma_start3A_587 = arith.constant 0 : i32
      %dma_start3A_588 = tpu.memref_slice %arg5[%add3A_544, %dma_start3A_587] : memref<8192x768xf32, #tpu.memory_space<hbm>> -> memref<64x768xf32, #tpu.memory_space<hbm>>
      tpu.enqueue_dma source(%arg10 : memref<64x768xf32, #tpu.memory_space<vmem>>) target(%dma_start3A_588 : memref<64x768xf32, #tpu.memory_space<hbm>>) target_semaphore(%run_scoped3A : memref<!tpu.dma_semaphore, #tpu.memory_space<semaphore_mem>>)
      %dma_wait3A_589 = arith.constant 0 : i32
      %dma_wait3A_590 = tpu.memref_slice %arg5[%add3A_544, %dma_wait3A_589] : memref<8192x768xf32, #tpu.memory_space<hbm>> -> memref<64x768xf32, #tpu.memory_space<hbm>>
      %dma_wait3A_591 = arith.constant 0 : i32
      %dma_wait3A_592 = tpu.memref_slice %arg5[%add3A_544, %dma_wait3A_591] : memref<8192x768xf32, #tpu.memory_space<hbm>> -> memref<64x768xf32, #tpu.memory_space<hbm>>
      tpu.wait_dma2 semaphore(%run_scoped3A : memref<!tpu.dma_semaphore, #tpu.memory_space<semaphore_mem>>) src(%arg10 : memref<64x768xf32, #tpu.memory_space<vmem>>) dst(%dma_wait3A_592 : memref<64x768xf32, #tpu.memory_space<hbm>>)
      tpu.yield
    }) : () -> ()
    %add3A_545 = arith.constant 192 : i32
    %add3A_546 = arith.addi %mul3A_2, %add3A_545 : i32
    %dma_start3A_547 = tpu.memref_slice %arg6[%add3A_546] : memref<8192xi32, #tpu.memory_space<vmem>> -> memref<64xi32, #tpu.memory_space<vmem>>
    %dma_start3A_548 = arith.constant 0 : i32
    %dma_start3A_549 = arith.constant 0 : i32
    %dma_start3A_550 = tpu.memref_slice %arg4[%dma_start3A_548, %dma_start3A_549] : memref<262208x768xf32, #tpu.memory_space<hbm>> -> memref<262208x768xf32, #tpu.memory_space<hbm>>
    tpu.enqueue_indirect_dma source(%dma_start3A_550 : memref<262208x768xf32, #tpu.memory_space<hbm>>) target(%arg10 : memref<64x768xf32, #tpu.memory_space<vmem>>) offsets(%dma_start3A_547 : memref<64xi32, #tpu.memory_space<vmem>>) semaphore(%arg12 : memref<!tpu.dma_semaphore, #tpu.memory_space<semaphore_mem>>)
    %dma_wait3A_551 = tpu.memref_slice %arg6[%add3A_523] : memref<8192xi32, #tpu.memory_space<vmem>> -> memref<64xi32, #tpu.memory_space<vmem>>
    %dma_wait3A_552 = arith.constant 0 : i32
    %dma_wait3A_553 = arith.constant 0 : i32
    %dma_wait3A_554 = tpu.memref_slice %arg4[%dma_wait3A_552, %dma_wait3A_553] : memref<262208x768xf32, #tpu.memory_space<hbm>> -> memref<262208x768xf32, #tpu.memory_space<hbm>>
    tpu.wait_indirect_dma semaphore(%arg11 : memref<!tpu.dma_semaphore, #tpu.memory_space<semaphore_mem>>) src(%dma_wait3A_554 : memref<262208x768xf32, #tpu.memory_space<hbm>>) dst(%arg9 : memref<64x768xf32, #tpu.memory_space<vmem>>)
    %while3A_555 = arith.constant 0 : i32
    %while3A_556 = arith.subi %add3A_384, %add3A_264 : i32
    %while3A_557 = arith.addi %add3A_264, %while3A_556 : i32
    %while3A_558 = arith.constant 1 : i32
    %while3A_559 = arith.divsi %while3A_556, %while3A_558 : i32
    %while3A_560 = arith.muli %while3A_559, %while3A_558 : i32
    %while3A_561 = arith.addi %add3A_264, %while3A_560 : i32
    %while3A_562 = arith.constant 1 : i32
    %while3A_563 = scf.for %while3A_585 = %add3A_264 to %while3A_561 step %while3A_562 iter_args(%while3A_586 = %while3A_555) -> (i32)  : i32 {
      %get3A_587 = arith.index_cast %while3A_585 : i32 to index
      %get3A_588 = tpu.vector_load %arg7[%get3A_587] {strides = array<i32>} : memref<272xi32, #tpu.memory_space<vmem>>, vector<16xi32>,
      %slice3A_589 = vector.extract_strided_slice %get3A_588 {offsets = [0], sizes = [1], strides = [1]} : vector<16xi32> to vector<1xi32>
      %squeeze3A_590 = vector.extract %slice3A_589[0] : i32 from vector<1xi32>
      %get3A_591 = arith.index_cast %while3A_585 : i32 to index
      %get3A_592 = tpu.vector_load %arg8[%get3A_591] {strides = array<i32>} : memref<272xi32, #tpu.memory_space<vmem>>, vector<16xi32>,
      %slice3A_593 = vector.extract_strided_slice %get3A_592 {offsets = [0], sizes = [1], strides = [1]} : vector<16xi32> to vector<1xi32>
      %squeeze3A_594 = vector.extract %slice3A_593[0] : i32 from vector<1xi32>
      %sub3A_595 = arith.constant 128 : i32
      %sub3A_596 = arith.subi %squeeze3A_590, %sub3A_595 : i32
      "tpu.region"() ({
        %run_scoped3A = tpu.sem_alloc : memref<!tpu.dma_semaphore, #tpu.memory_space<semaphore_mem>>
        %dma_start3A_598 = arith.constant 0 : i32
        %dma_start3A_599 = tpu.memref_slice %arg9[%sub3A_596, %dma_start3A_598] : memref<64x768xf32, #tpu.memory_space<vmem>> -> memref<1x768xf32, #tpu.memory_space<vmem>>
        %dma_start3A_600 = arith.constant 0 : i32
        %dma_start3A_601 = tpu.memref_slice %arg3[%squeeze3A_594, %dma_start3A_600] : memref<1024x768xf32, #tpu.memory_space<hbm>> -> memref<1x768xf32, #tpu.memory_space<hbm>>
        %dma_start3A_602 = arith.constant 0 : i32
        %dma_start3A_603 = tpu.memref_slice %arg9[%sub3A_596, %dma_start3A_602] : memref<64x768xf32, #tpu.memory_space<vmem>> -> memref<1x768xf32, #tpu.memory_space<vmem>>
        %dma_start3A_604 = arith.constant 0 : i32
        %dma_start3A_605 = tpu.memref_slice %arg3[%squeeze3A_594, %dma_start3A_604] : memref<1024x768xf32, #tpu.memory_space<hbm>> -> memref<1x768xf32, #tpu.memory_space<hbm>>
        tpu.enqueue_dma source(%dma_start3A_605 : memref<1x768xf32, #tpu.memory_space<hbm>>) target(%dma_start3A_603 : memref<1x768xf32, #tpu.memory_space<vmem>>) target_semaphore(%run_scoped3A : memref<!tpu.dma_semaphore, #tpu.memory_space<semaphore_mem>>)
        %dma_wait3A_606 = arith.constant 0 : i32
        %dma_wait3A_607 = tpu.memref_slice %arg9[%sub3A_596, %dma_wait3A_606] : memref<64x768xf32, #tpu.memory_space<vmem>> -> memref<1x768xf32, #tpu.memory_space<vmem>>
        %dma_wait3A_608 = arith.constant 0 : i32
        %dma_wait3A_609 = tpu.memref_slice %arg3[%squeeze3A_594, %dma_wait3A_608] : memref<1024x768xf32, #tpu.memory_space<hbm>> -> memref<1x768xf32, #tpu.memory_space<hbm>>
        %dma_wait3A_610 = arith.constant 0 : i32
        %dma_wait3A_611 = tpu.memref_slice %arg9[%sub3A_596, %dma_wait3A_610] : memref<64x768xf32, #tpu.memory_space<vmem>> -> memref<1x768xf32, #tpu.memory_space<vmem>>
        %dma_wait3A_612 = arith.constant 0 : i32
        %dma_wait3A_613 = tpu.memref_slice %arg3[%squeeze3A_594, %dma_wait3A_612] : memref<1024x768xf32, #tpu.memory_space<hbm>> -> memref<1x768xf32, #tpu.memory_space<hbm>>
        tpu.wait_dma2 semaphore(%run_scoped3A : memref<!tpu.dma_semaphore, #tpu.memory_space<semaphore_mem>>) src(%dma_wait3A_613 : memref<1x768xf32, #tpu.memory_space<hbm>>) dst(%dma_wait3A_611 : memref<1x768xf32, #tpu.memory_space<vmem>>)
        tpu.yield
      }) : () -> ()
      %while3A_597 = arith.constant 0 : i32
      scf.yield %while3A_597 : i32
    }
    %while3A_564 = arith.constant 1 : i32
    %while3A_565 = scf.for %while3A_585 = %while3A_561 to %while3A_557 step %while3A_564 iter_args(%while3A_586 = %while3A_563) -> (i32)  : i32 {
      %get3A_587 = arith.index_cast %while3A_585 : i32 to index
      %get3A_588 = tpu.vector_load %arg7[%get3A_587] {strides = array<i32>} : memref<272xi32, #tpu.memory_space<vmem>>, vector<16xi32>,
      %slice3A_589 = vector.extract_strided_slice %get3A_588 {offsets = [0], sizes = [1], strides = [1]} : vector<16xi32> to vector<1xi32>
      %squeeze3A_590 = vector.extract %slice3A_589[0] : i32 from vector<1xi32>
      %get3A_591 = arith.index_cast %while3A_585 : i32 to index
      %get3A_592 = tpu.vector_load %arg8[%get3A_591] {strides = array<i32>} : memref<272xi32, #tpu.memory_space<vmem>>, vector<16xi32>,
      %slice3A_593 = vector.extract_strided_slice %get3A_592 {offsets = [0], sizes = [1], strides = [1]} : vector<16xi32> to vector<1xi32>
      %squeeze3A_594 = vector.extract %slice3A_593[0] : i32 from vector<1xi32>
      %sub3A_595 = arith.constant 128 : i32
      %sub3A_596 = arith.subi %squeeze3A_590, %sub3A_595 : i32
      "tpu.region"() ({
        %run_scoped3A = tpu.sem_alloc : memref<!tpu.dma_semaphore, #tpu.memory_space<semaphore_mem>>
        %dma_start3A_598 = arith.constant 0 : i32
        %dma_start3A_599 = tpu.memref_slice %arg9[%sub3A_596, %dma_start3A_598] : memref<64x768xf32, #tpu.memory_space<vmem>> -> memref<1x768xf32, #tpu.memory_space<vmem>>
        %dma_start3A_600 = arith.constant 0 : i32
        %dma_start3A_601 = tpu.memref_slice %arg3[%squeeze3A_594, %dma_start3A_600] : memref<1024x768xf32, #tpu.memory_space<hbm>> -> memref<1x768xf32, #tpu.memory_space<hbm>>
        %dma_start3A_602 = arith.constant 0 : i32
        %dma_start3A_603 = tpu.memref_slice %arg9[%sub3A_596, %dma_start3A_602] : memref<64x768xf32, #tpu.memory_space<vmem>> -> memref<1x768xf32, #tpu.memory_space<vmem>>
        %dma_start3A_604 = arith.constant 0 : i32
        %dma_start3A_605 = tpu.memref_slice %arg3[%squeeze3A_594, %dma_start3A_604] : memref<1024x768xf32, #tpu.memory_space<hbm>> -> memref<1x768xf32, #tpu.memory_space<hbm>>
        tpu.enqueue_dma source(%dma_start3A_605 : memref<1x768xf32, #tpu.memory_space<hbm>>) target(%dma_start3A_603 : memref<1x768xf32, #tpu.memory_space<vmem>>) target_semaphore(%run_scoped3A : memref<!tpu.dma_semaphore, #tpu.memory_space<semaphore_mem>>)
        %dma_wait3A_606 = arith.constant 0 : i32
        %dma_wait3A_607 = tpu.memref_slice %arg9[%sub3A_596, %dma_wait3A_606] : memref<64x768xf32, #tpu.memory_space<vmem>> -> memref<1x768xf32, #tpu.memory_space<vmem>>
        %dma_wait3A_608 = arith.constant 0 : i32
        %dma_wait3A_609 = tpu.memref_slice %arg3[%squeeze3A_594, %dma_wait3A_608] : memref<1024x768xf32, #tpu.memory_space<hbm>> -> memref<1x768xf32, #tpu.memory_space<hbm>>
        %dma_wait3A_610 = arith.constant 0 : i32
        %dma_wait3A_611 = tpu.memref_slice %arg9[%sub3A_596, %dma_wait3A_610] : memref<64x768xf32, #tpu.memory_space<vmem>> -> memref<1x768xf32, #tpu.memory_space<vmem>>
        %dma_wait3A_612 = arith.constant 0 : i32
        %dma_wait3A_613 = tpu.memref_slice %arg3[%squeeze3A_594, %dma_wait3A_612] : memref<1024x768xf32, #tpu.memory_space<hbm>> -> memref<1x768xf32, #tpu.memory_space<hbm>>
        tpu.wait_dma2 semaphore(%run_scoped3A : memref<!tpu.dma_semaphore, #tpu.memory_space<semaphore_mem>>) src(%dma_wait3A_613 : memref<1x768xf32, #tpu.memory_space<hbm>>) dst(%dma_wait3A_611 : memref<1x768xf32, #tpu.memory_space<vmem>>)
        tpu.yield
      }) : () -> ()
      %while3A_597 = arith.constant 0 : i32
      scf.yield %while3A_597 : i32
    }
    %add3A_566 = arith.constant 128 : i32
    %add3A_567 = arith.addi %mul3A_2, %add3A_566 : i32
    "tpu.region"() ({
      %run_scoped3A = tpu.sem_alloc : memref<!tpu.dma_semaphore, #tpu.memory_space<semaphore_mem>>
      %dma_start3A_585 = arith.constant 0 : i32
      %dma_start3A_586 = tpu.memref_slice %arg5[%add3A_567, %dma_start3A_585] : memref<8192x768xf32, #tpu.memory_space<hbm>> -> memref<64x768xf32, #tpu.memory_space<hbm>>
      %dma_start3A_587 = arith.constant 0 : i32
      %dma_start3A_588 = tpu.memref_slice %arg5[%add3A_567, %dma_start3A_587] : memref<8192x768xf32, #tpu.memory_space<hbm>> -> memref<64x768xf32, #tpu.memory_space<hbm>>
      tpu.enqueue_dma source(%arg9 : memref<64x768xf32, #tpu.memory_space<vmem>>) target(%dma_start3A_588 : memref<64x768xf32, #tpu.memory_space<hbm>>) target_semaphore(%run_scoped3A : memref<!tpu.dma_semaphore, #tpu.memory_space<semaphore_mem>>)
      %dma_wait3A_589 = arith.constant 0 : i32
      %dma_wait3A_590 = tpu.memref_slice %arg5[%add3A_567, %dma_wait3A_589] : memref<8192x768xf32, #tpu.memory_space<hbm>> -> memref<64x768xf32, #tpu.memory_space<hbm>>
      %dma_wait3A_591 = arith.constant 0 : i32
      %dma_wait3A_592 = tpu.memref_slice %arg5[%add3A_567, %dma_wait3A_591] : memref<8192x768xf32, #tpu.memory_space<hbm>> -> memref<64x768xf32, #tpu.memory_space<hbm>>
      tpu.wait_dma2 semaphore(%run_scoped3A : memref<!tpu.dma_semaphore, #tpu.memory_space<semaphore_mem>>) src(%arg9 : memref<64x768xf32, #tpu.memory_space<vmem>>) dst(%dma_wait3A_592 : memref<64x768xf32, #tpu.memory_space<hbm>>)
      tpu.yield
    }) : () -> ()
    %dma_wait3A_568 = tpu.memref_slice %arg6[%add3A_546] : memref<8192xi32, #tpu.memory_space<vmem>> -> memref<64xi32, #tpu.memory_space<vmem>>
    %dma_wait3A_569 = arith.constant 0 : i32
    %dma_wait3A_570 = arith.constant 0 : i32
    %dma_wait3A_571 = tpu.memref_slice %arg4[%dma_wait3A_569, %dma_wait3A_570] : memref<262208x768xf32, #tpu.memory_space<hbm>> -> memref<262208x768xf32, #tpu.memory_space<hbm>>
    tpu.wait_indirect_dma semaphore(%arg12 : memref<!tpu.dma_semaphore, #tpu.memory_space<semaphore_mem>>) src(%dma_wait3A_571 : memref<262208x768xf32, #tpu.memory_space<hbm>>) dst(%arg10 : memref<64x768xf32, #tpu.memory_space<vmem>>)
    %while3A_572 = arith.constant 0 : i32
    %while3A_573 = arith.subi %add3A_504, %add3A_384 : i32
    %while3A_574 = arith.addi %add3A_384, %while3A_573 : i32
    %while3A_575 = arith.constant 1 : i32
    %while3A_576 = arith.divsi %while3A_573, %while3A_575 : i32
    %while3A_577 = arith.muli %while3A_576, %while3A_575 : i32
    %while3A_578 = arith.addi %add3A_384, %while3A_577 : i32
    %while3A_579 = arith.constant 1 : i32
    %while3A_580 = scf.for %while3A_585 = %add3A_384 to %while3A_578 step %while3A_579 iter_args(%while3A_586 = %while3A_572) -> (i32)  : i32 {
      %get3A_587 = arith.index_cast %while3A_585 : i32 to index
      %get3A_588 = tpu.vector_load %arg7[%get3A_587] {strides = array<i32>} : memref<272xi32, #tpu.memory_space<vmem>>, vector<16xi32>,
      %slice3A_589 = vector.extract_strided_slice %get3A_588 {offsets = [0], sizes = [1], strides = [1]} : vector<16xi32> to vector<1xi32>
      %squeeze3A_590 = vector.extract %slice3A_589[0] : i32 from vector<1xi32>
      %get3A_591 = arith.index_cast %while3A_585 : i32 to index
      %get3A_592 = tpu.vector_load %arg8[%get3A_591] {strides = array<i32>} : memref<272xi32, #tpu.memory_space<vmem>>, vector<16xi32>,
      %slice3A_593 = vector.extract_strided_slice %get3A_592 {offsets = [0], sizes = [1], strides = [1]} : vector<16xi32> to vector<1xi32>
      %squeeze3A_594 = vector.extract %slice3A_593[0] : i32 from vector<1xi32>
      %sub3A_595 = arith.constant 192 : i32
      %sub3A_596 = arith.subi %squeeze3A_590, %sub3A_595 : i32
      "tpu.region"() ({
        %run_scoped3A = tpu.sem_alloc : memref<!tpu.dma_semaphore, #tpu.memory_space<semaphore_mem>>
        %dma_start3A_598 = arith.constant 0 : i32
        %dma_start3A_599 = tpu.memref_slice %arg10[%sub3A_596, %dma_start3A_598] : memref<64x768xf32, #tpu.memory_space<vmem>> -> memref<1x768xf32, #tpu.memory_space<vmem>>
        %dma_start3A_600 = arith.constant 0 : i32
        %dma_start3A_601 = tpu.memref_slice %arg3[%squeeze3A_594, %dma_start3A_600] : memref<1024x768xf32, #tpu.memory_space<hbm>> -> memref<1x768xf32, #tpu.memory_space<hbm>>
        %dma_start3A_602 = arith.constant 0 : i32
        %dma_start3A_603 = tpu.memref_slice %arg10[%sub3A_596, %dma_start3A_602] : memref<64x768xf32, #tpu.memory_space<vmem>> -> memref<1x768xf32, #tpu.memory_space<vmem>>
        %dma_start3A_604 = arith.constant 0 : i32
        %dma_start3A_605 = tpu.memref_slice %arg3[%squeeze3A_594, %dma_start3A_604] : memref<1024x768xf32, #tpu.memory_space<hbm>> -> memref<1x768xf32, #tpu.memory_space<hbm>>
        tpu.enqueue_dma source(%dma_start3A_605 : memref<1x768xf32, #tpu.memory_space<hbm>>) target(%dma_start3A_603 : memref<1x768xf32, #tpu.memory_space<vmem>>) target_semaphore(%run_scoped3A : memref<!tpu.dma_semaphore, #tpu.memory_space<semaphore_mem>>)
        %dma_wait3A_606 = arith.constant 0 : i32
        %dma_wait3A_607 = tpu.memref_slice %arg10[%sub3A_596, %dma_wait3A_606] : memref<64x768xf32, #tpu.memory_space<vmem>> -> memref<1x768xf32, #tpu.memory_space<vmem>>
        %dma_wait3A_608 = arith.constant 0 : i32
        %dma_wait3A_609 = tpu.memref_slice %arg3[%squeeze3A_594, %dma_wait3A_608] : memref<1024x768xf32, #tpu.memory_space<hbm>> -> memref<1x768xf32, #tpu.memory_space<hbm>>
        %dma_wait3A_610 = arith.constant 0 : i32
        %dma_wait3A_611 = tpu.memref_slice %arg10[%sub3A_596, %dma_wait3A_610] : memref<64x768xf32, #tpu.memory_space<vmem>> -> memref<1x768xf32, #tpu.memory_space<vmem>>
        %dma_wait3A_612 = arith.constant 0 : i32
        %dma_wait3A_613 = tpu.memref_slice %arg3[%squeeze3A_594, %dma_wait3A_612] : memref<1024x768xf32, #tpu.memory_space<hbm>> -> memref<1x768xf32, #tpu.memory_space<hbm>>
        tpu.wait_dma2 semaphore(%run_scoped3A : memref<!tpu.dma_semaphore, #tpu.memory_space<semaphore_mem>>) src(%dma_wait3A_613 : memref<1x768xf32, #tpu.memory_space<hbm>>) dst(%dma_wait3A_611 : memref<1x768xf32, #tpu.memory_space<vmem>>)
        tpu.yield
      }) : () -> ()
      %while3A_597 = arith.constant 0 : i32
      scf.yield %while3A_597 : i32
    }
    %while3A_581 = arith.constant 1 : i32
    %while3A_582 = scf.for %while3A_585 = %while3A_578 to %while3A_574 step %while3A_581 iter_args(%while3A_586 = %while3A_580) -> (i32)  : i32 {
      %get3A_587 = arith.index_cast %while3A_585 : i32 to index
      %get3A_588 = tpu.vector_load %arg7[%get3A_587] {strides = array<i32>} : memref<272xi32, #tpu.memory_space<vmem>>, vector<16xi32>,
      %slice3A_589 = vector.extract_strided_slice %get3A_588 {offsets = [0], sizes = [1], strides = [1]} : vector<16xi32> to vector<1xi32>
      %squeeze3A_590 = vector.extract %slice3A_589[0] : i32 from vector<1xi32>
      %get3A_591 = arith.index_cast %while3A_585 : i32 to index
      %get3A_592 = tpu.vector_load %arg8[%get3A_591] {strides = array<i32>} : memref<272xi32, #tpu.memory_space<vmem>>, vector<16xi32>,
      %slice3A_593 = vector.extract_strided_slice %get3A_592 {offsets = [0], sizes = [1], strides = [1]} : vector<16xi32> to vector<1xi32>
      %squeeze3A_594 = vector.extract %slice3A_593[0] : i32 from vector<1xi32>
      %sub3A_595 = arith.constant 192 : i32
      %sub3A_596 = arith.subi %squeeze3A_590, %sub3A_595 : i32
      "tpu.region"() ({
        %run_scoped3A = tpu.sem_alloc : memref<!tpu.dma_semaphore, #tpu.memory_space<semaphore_mem>>
        %dma_start3A_598 = arith.constant 0 : i32
        %dma_start3A_599 = tpu.memref_slice %arg10[%sub3A_596, %dma_start3A_598] : memref<64x768xf32, #tpu.memory_space<vmem>> -> memref<1x768xf32, #tpu.memory_space<vmem>>
        %dma_start3A_600 = arith.constant 0 : i32
        %dma_start3A_601 = tpu.memref_slice %arg3[%squeeze3A_594, %dma_start3A_600] : memref<1024x768xf32, #tpu.memory_space<hbm>> -> memref<1x768xf32, #tpu.memory_space<hbm>>
        %dma_start3A_602 = arith.constant 0 : i32
        %dma_start3A_603 = tpu.memref_slice %arg10[%sub3A_596, %dma_start3A_602] : memref<64x768xf32, #tpu.memory_space<vmem>> -> memref<1x768xf32, #tpu.memory_space<vmem>>
        %dma_start3A_604 = arith.constant 0 : i32
        %dma_start3A_605 = tpu.memref_slice %arg3[%squeeze3A_594, %dma_start3A_604] : memref<1024x768xf32, #tpu.memory_space<hbm>> -> memref<1x768xf32, #tpu.memory_space<hbm>>
        tpu.enqueue_dma source(%dma_start3A_605 : memref<1x768xf32, #tpu.memory_space<hbm>>) target(%dma_start3A_603 : memref<1x768xf32, #tpu.memory_space<vmem>>) target_semaphore(%run_scoped3A : memref<!tpu.dma_semaphore, #tpu.memory_space<semaphore_mem>>)
        %dma_wait3A_606 = arith.constant 0 : i32
        %dma_wait3A_607 = tpu.memref_slice %arg10[%sub3A_596, %dma_wait3A_606] : memref<64x768xf32, #tpu.memory_space<vmem>> -> memref<1x768xf32, #tpu.memory_space<vmem>>
        %dma_wait3A_608 = arith.constant 0 : i32
        %dma_wait3A_609 = tpu.memref_slice %arg3[%squeeze3A_594, %dma_wait3A_608] : memref<1024x768xf32, #tpu.memory_space<hbm>> -> memref<1x768xf32, #tpu.memory_space<hbm>>
        %dma_wait3A_610 = arith.constant 0 : i32
        %dma_wait3A_611 = tpu.memref_slice %arg10[%sub3A_596, %dma_wait3A_610] : memref<64x768xf32, #tpu.memory_space<vmem>> -> memref<1x768xf32, #tpu.memory_space<vmem>>
        %dma_wait3A_612 = arith.constant 0 : i32
        %dma_wait3A_613 = tpu.memref_slice %arg3[%squeeze3A_594, %dma_wait3A_612] : memref<1024x768xf32, #tpu.memory_space<hbm>> -> memref<1x768xf32, #tpu.memory_space<hbm>>
        tpu.wait_dma2 semaphore(%run_scoped3A : memref<!tpu.dma_semaphore, #tpu.memory_space<semaphore_mem>>) src(%dma_wait3A_613 : memref<1x768xf32, #tpu.memory_space<hbm>>) dst(%dma_wait3A_611 : memref<1x768xf32, #tpu.memory_space<vmem>>)
        tpu.yield
      }) : () -> ()
      %while3A_597 = arith.constant 0 : i32
      scf.yield %while3A_597 : i32
    }
    %add3A_583 = arith.constant 192 : i32
    %add3A_584 = arith.addi %mul3A_2, %add3A_583 : i32
    "tpu.region"() ({
      %run_scoped3A = tpu.sem_alloc : memref<!tpu.dma_semaphore, #tpu.memory_space<semaphore_mem>>
      %dma_start3A_585 = arith.constant 0 : i32
      %dma_start3A_586 = tpu.memref_slice %arg5[%add3A_584, %dma_start3A_585] : memref<8192x768xf32, #tpu.memory_space<hbm>> -> memref<64x768xf32, #tpu.memory_space<hbm>>
      %dma_start3A_587 = arith.constant 0 : i32
      %dma_start3A_588 = tpu.memref_slice %arg5[%add3A_584, %dma_start3A_587] : memref<8192x768xf32, #tpu.memory_space<hbm>> -> memref<64x768xf32, #tpu.memory_space<hbm>>
      tpu.enqueue_dma source(%arg10 : memref<64x768xf32, #tpu.memory_space<vmem>>) target(%dma_start3A_588 : memref<64x768xf32, #tpu.memory_space<hbm>>) target_semaphore(%run_scoped3A : memref<!tpu.dma_semaphore, #tpu.memory_space<semaphore_mem>>)
      %dma_wait3A_589 = arith.constant 0 : i32
      %dma_wait3A_590 = tpu.memref_slice %arg5[%add3A_584, %dma_wait3A_589] : memref<8192x768xf32, #tpu.memory_space<hbm>> -> memref<64x768xf32, #tpu.memory_space<hbm>>
      %dma_wait3A_591 = arith.constant 0 : i32
      %dma_wait3A_592 = tpu.memref_slice %arg5[%add3A_584, %dma_wait3A_591] : memref<8192x768xf32, #tpu.memory_space<hbm>> -> memref<64x768xf32, #tpu.memory_space<hbm>>
      tpu.wait_dma2 semaphore(%run_scoped3A : memref<!tpu.dma_semaphore, #tpu.memory_space<semaphore_mem>>) src(%arg10 : memref<64x768xf32, #tpu.memory_space<vmem>>) dst(%dma_wait3A_592 : memref<64x768xf32, #tpu.memory_space<hbm>>)
      tpu.yield
    }) : () -> ()
    return
  }
}

</mosaic_0001>

<sc_bundles>
// kernel: kernel.3.cloned.1.call-start
scs
__scs_entry_jumppad:
0x0: {  	(pc) =	sbr.rel $0x88, $3  }
0x1: {  	(tag) =	ssettag $0x0;
	lr =	simm.s32 $0x1  }
0x2: {  	[smem:$0x3F9E] =	sst lr;
	_ =	strace $0xD0000000  }
0x3: {  	_ = 	snop  }
0x4: {  	_ = 	snop  }
0x5: {  	_ = 	snop  }
0x6: {  	_ = 	snop  }
0x7: {  	_ = 	snop  }
__scs_overlays_trampoline_lowered:
0x8: {  	[smem:$0x3FAD] =	sst s0  }
0x9: {  	[smem:$0x3FAE] =	sst s1  }
0xa: {  	[smem:$0x3FAF] =	sst s2  }
0xb: {  	[smem:$0x3FB0] =	sst s3  }
0xc: {  	[smem:$0x3FB1] =	sst s4  }
0xd: {  	[smem:$0x3FB2] =	sst s5  }
0xe: {  	[smem:$0x3FB3] =	sst s6  }
0xf: {  	[smem:$0x3FB4] =	sst s7  }
0x10: {  	[smem:$0x3FB5] =	sst s8  }
0x11: {  	[smem:$0x3FB6] =	sst s9;
	s0 =	simm.s32 @!p0 $0x0  }
0x12: {  	s1 =	sld [smem:$0x3F9C];
	s0 =	simm.s32 @p0 $0x1  }
0x13: {  	[smem:$0x3FB7] =	sst s0;
	s0 =	simm.s32 @!p1 $0x0  }
0x14: {  	s2 =	sld [smem:$0x3F9B];
	s0 =	simm.s32 @p1 $0x1  }
0x15: {  	[smem:$0x3FB8] =	sst s0;
	s0 =	simm.s32 @!p2 $0x0  }
0x16: {  	s3 =	sld [smem:$0x3FDB];
	s0 =	simm.s32 @p2 $0x1  }
0x17: {  	s4 =	simm.s32 $0x1BF5;
	[smem:$0x3FBA] =	sst s0  }
0x18: {  	s0 =	sld [smem:$0x3F9D];
	_ =	swait.ge [sflag:s4], $0x0  }
0x19: {  	s7 =	sld [smem:$0x3F9E]  }
0x1a: {  	s8 =	sadd.s32 $0xFFFFE003, lr  }
0x1b: {  	s9 =	sadd.s32 $0xFFFFFEF7, lr;
	s5 =	simm.s32 $0xFFFFFFFF;
	p2 =	slt.u32 s8, $0xFFFFF086  }
0x1c: {  	p1 =	slt.u32 s9, $0xF7A;
	s5 =	simm.s32 @!p2 $0x0  }
0x1d: {  	s5 =	simm.s32 @p1 $0x1;
	p0 =	seq.s32 s7, s2  }
0x1e: {  	s7 =	smul.u32 @!p0 $0xF7A, s2;
	p2 =	seq.s32 @!p0 s5, $0x0  }
0x1f: {  	s9 =	smul.u32 $0xF7A, s1;
	s8 =	simm.s32 @!p0 $0x1BF5;
	p2 =	por !p2, p0  }
0x20: {  	[sflag:s8] =	ssyncset.s32 @!p0 $0xFFFFF086;
	s6 =	sadd.s32 @!p0 s3, s7;
	s7 =	simm.s32 @!p0 $0x108  }
0x21: {  	s3 =	sadd.s32 s3, s9;
	s6 =	sadd.s32 @!p0 $0x88, s6;
	s7 =	simm.s32 @p2 $0x1082  }
0x22: {  	[simem:s7], [sflag:s8] =	dma.local @!p0 [hbm:s6], $0xF7A  }
0x23: {  	s9 =	sor.u32 $0xD0000000, s2;
	s6 =	simm.s32 $0x108;
	_ =	swait.ge @!p0 [sflag:s8], $0x0  }
0x24: {  	s3 =	sadd.s32 $0x88, s3;
	s6 =	simm.s32 @!p1 $0x1082;
	[sflag:s4] =	ssyncset.s32 $0xFFFFF086  }
0x25: {  	[simem:s6], [sflag:s4] =	dma.local [hbm:s3], $0xF7A  }
0x26: {  	[smem:$0x3F9E] =	sst s1;
	(tag) =	ssettag s2;
	_ =	strace s9  }
0x27: {  	s1 =	sld [smem:$0x3FAE]  }
0x28: {  	s2 =	sld [smem:$0x3FAF]  }
0x29: {  	s4 =	sld [smem:$0x3FB1]  }
0x2a: {  	p0 =	seq.s32 s5, $0x0;
	s5 =	sld [smem:$0x3FB2]  }
0x2b: {  	s6 =	sld [smem:$0x3FB3]  }
0x2c: {  	s7 =	sld [smem:$0x3FB4]  }
0x2d: {  	s3 =	simm.s32 $0x108;
	s8 =	sld [smem:$0x3FB5]  }
0x2e: {  	s3 =	simm.s32 @!p0 $0x1082;
	s9 =	sld [smem:$0x3FB6]  }
0x2f: {  	lr =	sadd.s32 s0, s3;
	s0 =	sld [smem:$0x3FAD]  }
0x30: {  	s3 =	sld [smem:$0x3FB0]  }
0x31: {  	[smem:$0x3FB9] =	sst s10  }
0x32: {  	s10 =	sld [smem:$0x3FB7];
	_ =	sdelay $0x3  }
0x33: {  	p0 =	seq.s32 s10, $0x1;
	s10 =	sld [smem:$0x3FB9];
	_ =	sdelay $0x3  }
0x34: {  	[smem:$0x3FB9] =	sst s10  }
0x35: {  	s10 =	sld [smem:$0x3FB8];
	_ =	sdelay $0x3  }
0x36: {  	p1 =	seq.s32 s10, $0x1;
	s10 =	sld [smem:$0x3FB9];
	_ =	sdelay $0x3  }
0x37: {  	[smem:$0x3FB9] =	sst s10  }
0x38: {  	s10 =	sld [smem:$0x3FBA]  }
0x39: {  	_ = 	snop;
	(pc) =	sbr.ind lr, $3  }
0x3a: {  	_ = 	snop  }
0x3b: {  	_ = 	snop  }
0x3c: {  	p2 =	seq.s32 s10, $0x1;
	s10 =	sld [smem:$0x3FB9]  }
0x3d: {  	_ =	shalt  }
0x3e: {  	_ =	shalt  }
0x3f: {  	_ =	shalt  }
0x40: {  	_ =	shalt  }
0x41: {  	_ =	shalt  }
0x42: {  	_ =	shalt  }
0x43: {  	_ =	shalt  }
0x44: {  	_ =	shalt  }
0x45: {  	_ =	shalt  }
0x46: {  	_ =	shalt  }
0x47: {  	_ =	shalt  }
0x48: {  	_ =	shalt  }
0x49: {  	_ =	shalt  }
0x4a: {  	_ =	shalt  }
0x4b: {  	_ =	shalt  }
0x4c: {  	_ =	shalt  }
0x4d: {  	_ =	shalt  }
0x4e: {  	_ =	shalt  }
0x4f: {  	_ =	shalt  }
0x50: {  	_ =	shalt  }
0x51: {  	_ =	shalt  }
0x52: {  	_ =	shalt  }
0x53: {  	_ =	shalt  }
0x54: {  	_ =	shalt  }
0x55: {  	_ =	shalt  }
0x56: {  	_ =	shalt  }
0x57: {  	_ =	shalt  }
0x58: {  	_ =	shalt  }
0x59: {  	_ =	shalt  }
0x5a: {  	_ =	shalt  }
0x5b: {  	_ =	shalt  }
0x5c: {  	_ =	shalt  }
0x5d: {  	_ =	shalt  }
0x5e: {  	_ =	shalt  }
0x5f: {  	_ =	shalt  }
0x60: {  	_ =	shalt  }
0x61: {  	_ =	shalt  }
0x62: {  	_ =	shalt  }
0x63: {  	_ =	shalt  }
0x64: {  	_ =	shalt  }
0x65: {  	_ =	shalt  }
0x66: {  	_ =	shalt  }
0x67: {  	_ =	shalt  }
0x68: {  	_ =	shalt  }
0x69: {  	_ =	shalt  }
0x6a: {  	_ =	shalt  }
0x6b: {  	_ =	shalt  }
0x6c: {  	_ =	shalt  }
0x6d: {  	_ =	shalt  }
0x6e: {  	_ =	shalt  }
0x6f: {  	_ =	shalt  }
0x70: {  	_ =	shalt  }
0x71: {  	_ =	shalt  }
0x72: {  	_ =	shalt  }
0x73: {  	_ =	shalt  }
0x74: {  	_ =	shalt  }
0x75: {  	_ =	shalt  }
0x76: {  	_ =	shalt  }
0x77: {  	_ =	shalt  }
0x78: {  	_ =	shalt  }
0x79: {  	_ =	shalt  }
0x7a: {  	_ =	shalt  }
0x7b: {  	_ =	shalt  }
0x7c: {  	_ =	shalt  }
0x7d: {  	_ =	shalt  }
0x7e: {  	_ =	shalt  }
0x7f: {  	_ =	shalt  }
0x80: {  	_ =	shalt  }
0x81: {  	_ =	shalt  }
0x82: {  	_ =	shalt  }
0x83: {  	_ =	shalt  }
0x84: {  	_ =	shalt  }
0x85: {  	_ =	shalt  }
0x86: {  	_ =	shalt  }
0x87: {  	_ =	shalt  }
.Lfunc_end0:
.L_simem_size_0:
called_computation_lowered:
.L_overlay_start_0:
0x88: {  	s2 =	sld [smem:$0x3FD9]  }
0x89: {  	s3 =	sld [smem:$0x3FFE];
	_ =	sdelay $0x1  }
0x8a: {  	s1 =	srdreg.scid  }
0x8b: {  	s0 =	sand.u32 $0x1, s1  }
0x8c: {  	s17 =	sshll.u32 s0, $0xA;
	s2 =	sadd.s32 s3, s2  }
0x8d: {  	s2 =	sadd.s32 s2, s17  }
0x8e: {  	[smem:$0x3FC5] =	sst s2  }
0x8f: {  	_ = 	snop  }
0x90: {  	s2 =	sld [smem:$0x3FC8]  }
0x91: {  	s18 =	sld [smem:$0x3FC7]  }
0x92: {  	s4 =	sld [smem:$0x3FD0];
	(tm) =	ssettm $0x1  }
0x93: {  	s5 =	sld [smem:$0x3FFB];
	_ =	sdelay $0x3  }
0x94: {  	_ =	strace s5  }
0x95: {  	s5 =	sld [smem:$0x3FFC];
	_ =	sdelay $0x3  }
0x96: {  	_ =	strace s5  }
0x97: {  	s5 =	sld [smem:$0x3FFD];
	_ =	sdelay $0x3  }
0x98: {  	_ =	strace s5  }
0x99: {  	_ =	strace $0x8FFFFFFF  }
0x9a: {  	s19 =	sld [smem:$0x3FDB];
	_ =	sdelay $0x1  }
0x9b: {  	s6 =	simm.s32 $_scs_section_size  }
0x9c: {  	s7 =	simm.s32 $_size__tile_overlayer_lowered;
	s8 =	simm.s32 $_tile_overlayer_lowered  }
0x9d: {  	s22 =	simm.s32 $0x1BFF;
	s21 =	sshll.u32 s8, $0x1;
	s5 =	sadd.s32 s6, s19  }
0x9e: {  	s9 =	simm.s32 $0x0;
	s20 =	sshll.u32 s7, $0x1;
	s7 =	sadd.s32 s21, s5  }
0x9f: {  	[timem:s9], [sflag:s22] =	dma.local [hbm:s7], s20  }
0xa0: {  	_ =	swait.ge [sflag:s22], s20  }
0xa1: {  	s6 =	ssub.s32 $0x0, s20;
	[sflag:s22] =	ssyncset.done $0x0  }
0xa2: {  	[sflag:s22] =	ssyncadd.s32 s6;
	_ =	sdelay $0x1  }
0xa3: {  	s23 =	simm.s32 $0x1B8B  }
0xa4: {  	_ =	swait.ge [sflag:s23], $0x1  }
0xa5: {  	[sflag:s23] =	ssyncset.done $0x0  }
0xa6: {  	s25 =	simm.s32 $0x1B8E;
	s24 =	sld [smem:$0x3FFE];
	[sflag:s23] =	ssyncadd.s32 $0xFFFFFFFF  }
0xa7: {  	s26 =	simm.s32 $execute0_lowered;
	[smem:$0x3FD2] =	sst s25  }
0xa8: {  	s7 =	sshll.u32 s26, $0x1;
	_ =	strace $0x80000046;
	[dreg:$0x1] =	wrdreg $0xFFFFFFFF  }
0xa9: {  	s28 =	simm.s32 $_size_execute0_lowered;
	s5 =	sadd.s32 s5, s7;
	[dreg:$0x0] =	wrdreg $0x0  }
0xaa: {  	s7 =	sshll.u32 s28, $0x1;
	[dreg:$0x2] =	wrdreg s5  }
0xab: {  	[dreg:$0x3] =	wrdreg s7  }
0xac: {  	[dreg:$0x4] =	wrdreg $0xC0  }
0xad: {  	_ =	task [dreg:s9], $0x5FFFF  }
0xae: {  	[dreg:$0x1] =	wrdreg $0xFFFFFFFF  }
0xaf: {  	[dreg:$0x0] =	wrdreg $0x60  }
0xb0: {  	[dreg:$0x2] =	wrdreg s24  }
0xb1: {  	[dreg:$0x3] =	wrdreg s2  }
0xb2: {  	[dreg:$0x4] =	wrdreg s18  }
0xb3: {  	[dreg:$0x5] =	wrdreg s4  }
0xb4: {  	[dreg:$0x6] =	wrdreg $0x9  }
0xb5: {  	_ =	task.clear_ibuf [dreg:s9], $0x7FFFF;
	_ =	strace $0x90000046  }
0xb6: {  	s29 =	simm.s32 $0x9;
	_ =	strace $0x80000048  }
0xb7: {  	_ =	swait.ge [sflag:s29], $0x1  }
0xb8: {  	[sflag:s29] =	ssyncadd.s32 $0xFFFFFFFF  }
0xb9: {  	_ =	strace $0x90000048  }
0xba: {  	_ =	sfence  }
0xbb: {  	s30 =	sld [smem:$0x0];
	_ =	sdelay $0x2  }
0xbc: {  	s31 =	sshll.u32 s1, $0xD;
	s1 =	sshrl.u32 s1, $0x2  }
0xbd: {  	s3 =	sand.u32 $0x4000, s31;
	s1 =	sadd.s32 s1, s30  }
0xbe: {  	s0 =	sor.u32 s3, s0;
	s1 =	sshll.u32 s1, $0x11  }
0xbf: {  	s0 =	sor.u32 s1, s0  }
0xc0: {  	s0 =	sadd.s32 $0x8F2B, s0  }
0xc1: {  	[sflag:s0] =	ssyncadd.remote.s32 $0x1  }
0xc2: {  	_ =	sfence.sel $0xFFFF  }
0xc3: {  	[dreg:$0x0] =	wrdreg $0xFFFFFFFF;
	(pc) =	sbr.abs _section_cstart, $3  }
0xc4: {  	[dreg:$0x1] =	wrdreg $0xFFFFFFFF  }
0xc5: {  	_ =	task.clear_ibuf [dreg:s9], $0x2FFFF;
	_ =	strace $0x9FFFFFFF  }
0xc6: {  	(tm) =	ssettm $0x7FFFFFFF  }
0xc7: {  	_ =	shalt  }
tec
execute0_lowered:
.L_overlay_start_1:
0x0: {  	(tag) =	ssettag $0x1  }
0x1: {  	s0 =	rddreg [dreg:$0x0]  }
0x2: {  	s1 =	rddreg [dreg:$0x1]  }
0x3: {  	s2 =	rddreg [dreg:$0x2]  }
0x4: {  	s3 =	rddreg [dreg:$0x3];
	s4 =	simm.s32 $0x0  }
0x5: {  	s5 =	srdreg.scid;
	s8 =	stileid.u32;
	s18 =	simm.s32 $0x3  }
0x6: {  	s29 =	simm.s32 $0x2300;
	s20 =	simm.s32 $0xE300;
	[smem:$0x7FF] =	sst s4  }
0x7: {  	s5 =	sand.u32 $0x1, s5;
	s6 =	sshll.u32 s8, $0x1;
	s0 =	sadd.s32 $0x400, s0  }
0x8: {  	s30 =	sshll.u32 s8, $0x5;
	_ =	strace $0x80000047;
	s7 =	ssub.s32 $0x2, s5  }
0x9: {  	s12 =	sor.u32 s5, s6;
	[dreg:$0x5] =	wrdreg s0;
	s5 =	sshll.u32 s5, $0x4  }
0xa: {  	s22 =	sshrl.u32 s7, $0x1;
	s6 =	sshll.u32 s12, $0x8;
	s13 =	smul.u32 $0x6000, s12  }
0xb: {  	s31 =	sor.u32 s5, s30;
	s0 =	ssub.s32 s7, s22;
	s10 =	sor.u32 $0x40, s6  }
0xc: {  	s9 =	sor.u32 $0x80, s6;
	s23 =	sor.u32 $0xC0, s6;
	[dreg:$0x6] =	wrdreg s10  }
0xd: {  	v0 =	vlaneseq.u32;
	s11 =	sshrl.u32 s10, $0x3;
	s15 =	sshrl.u32 s9, $0x3;
	[dreg:$0x7] =	wrdreg s23  }
0xe: {  	vm0 =	vmmov $0xffff;
	v4 =	vimm.s32 $0x0;
	v2 =	vshrl.u32 v0, $0x3;
	s16 =	sshrl.u32 s23, $0x3;
	s24 =	sadd.s32 s3, s13;
	s14 =	smul.u32 $0x300, s11  }
0xf: {  	v1 =	vand.u32 $0x7, v0;
	v3 =	vor.u32 $0x8, v0;
	v5 =	vor.u32 $0x10, v0;
	s0 =	smax.u32 s0, $0x1;
	s15 =	smul.u32 $0x300, s15;
	[dreg:$0x8] =	wrdreg s24  }
.Ltmp0:
0x10: {  	v6 =	vor.u32 $0x20, v0;
	v7 =	vor.u32 $0x30, v0;
	v8 =	vor.u32 $0x40, v0;
	[dreg:$0xc] =	wrdreg s0;
	s0 =	smax.u32 s31, $0x1;
	(pc) =	sbr.rel .LBB2_1-.Ltmp0, $4  }
0x11: {  	v9 =	vor.u32 $0x50, v0;
	v10 =	vor.u32 $0x60, v0;
	v11 =	vor.u32 $0x70, v0;
	s26 =	smul.u32 $0x300, s16;
	[dreg:$0xd] =	wrdreg s0;
	s25 =	sadd.s32 s3, s14  }
0x12: {  	v12 =	vor.u32 $0x80, v0;
	v13 =	vor.u32 $0x90, v0;
	v14 =	vor.u32 $0xA0, v0;
	p0 =	seq.s32 s12, $0x0;
	s28 =	sadd.s32 s3, s15;
	[dreg:$0x9] =	wrdreg s25  }
0x13: {  	v15 =	vor.u32 $0xB0, v0;
	v16 =	vor.u32 $0xC0, v0;
	v17 =	vor.u32 $0xD0, v0;
	s5 =	simm.s32 $0x0;
	s3 =	sadd.s32 s3, s26;
	[dreg:$0xa] =	wrdreg s28  }
0x14: {  	v18 =	vor.u32 $0xE0, v0;
	v19 =	vor.u32 $0xF0, v0;
	v2 =	vmul.u32 $0x8, v2;
	s7 =	sadd.s32 $0x100, s2;
	s11 =	sadd.s32 $0x200, s2;
	[dreg:$0xb] =	wrdreg s3  }
.LBB2_20:
0x15: {  	[sflag:s18] =	ssyncset.done $0x0  }
0x16: {  	[sflag:s18] =	ssyncadd.s32 $0xFFFFFD00  }
.LBB2_21:
0x17: {  	s0 =	rddreg [dreg:$0xb]  }
0x18: {  	[hbm4b:s0+s4] =	stream.linear.scatter [tilespmem:s20], [sflag:$0x3], $0xC000, $0x38;
	[tilespmem:$0x1A300] =	vst v63  }
0x19: {  	_ =	swait.ge [sflag:s18], $0xC000  }
0x1a: {  	s5 =	sadd.s32 $0x1, s5;
	s31 =	rddreg [dreg:$0xc]  }
0x1b: {  	p1 =	sne.s32 s5, s31  }
.Ltmp1:
0x1c: {  	_ = 	snop;
	(pc) =	sbr.rel @!p1 .LBB2_22-.Ltmp1, $3  }
0x1d: {  	_ =	sdelay $0x1  }
0x1e: {  	[sflag:s18] =	ssyncset.done $0x0  }
0x1f: {  	[sflag:s18] =	ssyncadd.s32 $0xFFFF4000  }
.LBB2_1:
0x20: {  	s0 =	rddreg [dreg:$0x5]  }
0x21: {  	[tilespmem:s4], [sflag:$0x3] =	stream.linear.gather [hbm4b:s0+s4], $0x2000, $0x38;
	[tilespmem:$0x1A300] =	vst v63  }
0x22: {  	_ =	swait.ge [sflag:s18], $0x2000  }
0x23: {  	[sflag:s18] =	ssyncset.done $0x0  }
0x24: {  	[sflag:s18] =	ssyncadd.s32 $0xFFFFE000  }
0x25: {  	v20 =	vld [tilespmem:s6+$0x0];
	_ =	sdelay $0x4  }
0x26: {  	v21 =	vshrl.u32 v20, $0x3  }
0x27: {  	v21 =	vmul.u32 $0x30, v21  }
0x28: {  	v20 =	vand.u32 $0x7, v20  }
0x29: {  	v20 =	vor.u32 v20, v21  }
0x2a: {  	v21 =	vperm.xlane v20, v1;
	_ =	sdelay $0x1  }
0x2b: {  	v21 =	vadd.s32 v2, v21;
	_ =	sdelay $0x3  }
0x2c: {  	v20 =	vperm.xlane v20, v3  }
0x2d: {  	[tilespmem:s29], [sflag:$0x1] =	stream.indirect_vreg.gather [hbm4b:s2+s4], $0x80, v21, vm0, $0xb8;
	[tilespmem:$0x1A300] =	vst v63  }
0x2e: {  	s22 =	simm.s32 $0x2B00;
	v20 =	vadd.s32 v2, v20  }
0x2f: {  	[tilespmem:s22], [sflag:$0x1] =	stream.indirect_vreg.gather [hbm4b:s7+s4], $0x80, v21, vm0, $0xb8;
	[tilespmem:$0x1A300] =	vst v63  }
0x30: {  	s23 =	simm.s32 $0x3300  }
0x31: {  	[tilespmem:s23], [sflag:$0x1] =	stream.indirect_vreg.gather [hbm4b:s11+s4], $0x80, v21, vm0, $0xb8;
	[tilespmem:$0x1A300] =	vst v63  }
0x32: {  	s24 =	simm.s32 $0x3B00  }
0x33: {  	[tilespmem:s24], [sflag:$0x1] =	stream.indirect_vreg.gather [hbm4b:s2+s4], $0x80, v20, vm0, $0xb8;
	[tilespmem:$0x1A300] =	vst v63  }
0x34: {  	s25 =	simm.s32 $0x4300  }
0x35: {  	[tilespmem:s25], [sflag:$0x1] =	stream.indirect_vreg.gather [hbm4b:s7+s4], $0x80, v20, vm0, $0xb8;
	[tilespmem:$0x1A300] =	vst v63  }
0x36: {  	s26 =	simm.s32 $0x4B00  }
0x37: {  	[tilespmem:s26], [sflag:$0x1] =	stream.indirect_vreg.gather [hbm4b:s11+s4], $0x80, v20, vm0, $0xb8;
	[tilespmem:$0x1A300] =	vst v63  }
0x38: {  	v20 =	vld [tilespmem:s6+$0x10];
	_ =	sdelay $0x4  }
0x39: {  	v21 =	vshrl.u32 v20, $0x3  }
0x3a: {  	v21 =	vmul.u32 $0x30, v21  }
0x3b: {  	v20 =	vand.u32 $0x7, v20  }
0x3c: {  	v20 =	vor.u32 v20, v21  }
0x3d: {  	v21 =	vperm.xlane v20, v1;
	_ =	sdelay $0x1  }
0x3e: {  	v21 =	vadd.s32 v2, v21;
	_ =	sdelay $0x3  }
0x3f: {  	s28 =	simm.s32 $0x5300;
	v20 =	vperm.xlane v20, v3  }
0x40: {  	[tilespmem:s28], [sflag:$0x1] =	stream.indirect_vreg.gather [hbm4b:s2+s4], $0x80, v21, vm0, $0xb8;
	[tilespmem:$0x1A300] =	vst v63  }
0x41: {  	s30 =	simm.s32 $0x5B00;
	v20 =	vadd.s32 v2, v20  }
0x42: {  	[tilespmem:s30], [sflag:$0x1] =	stream.indirect_vreg.gather [hbm4b:s7+s4], $0x80, v21, vm0, $0xb8;
	[tilespmem:$0x1A300] =	vst v63  }
0x43: {  	s31 =	simm.s32 $0x6300  }
0x44: {  	[tilespmem:s31], [sflag:$0x1] =	stream.indirect_vreg.gather [hbm4b:s11+s4], $0x80, v21, vm0, $0xb8;
	[tilespmem:$0x1A300] =	vst v63  }
0x45: {  	s3 =	simm.s32 $0x6B00  }
0x46: {  	[tilespmem:s3], [sflag:$0x1] =	stream.indirect_vreg.gather [hbm4b:s2+s4], $0x80, v20, vm0, $0xb8;
	[tilespmem:$0x1A300] =	vst v63  }
0x47: {  	s8 =	simm.s32 $0x7300  }
0x48: {  	[tilespmem:s8], [sflag:$0x1] =	stream.indirect_vreg.gather [hbm4b:s7+s4], $0x80, v20, vm0, $0xb8;
	[tilespmem:$0x1A300] =	vst v63  }
0x49: {  	s10 =	simm.s32 $0x7B00  }
0x4a: {  	[tilespmem:s10], [sflag:$0x1] =	stream.indirect_vreg.gather [hbm4b:s11+s4], $0x80, v20, vm0, $0xb8;
	[tilespmem:$0x1A300] =	vst v63  }
0x4b: {  	v20 =	vld [tilespmem:s6+$0x20];
	_ =	sdelay $0x4  }
0x4c: {  	v21 =	vshrl.u32 v20, $0x3  }
0x4d: {  	v21 =	vmul.u32 $0x30, v21  }
0x4e: {  	v20 =	vand.u32 $0x7, v20  }
0x4f: {  	v20 =	vor.u32 v20, v21  }
0x50: {  	v21 =	vperm.xlane v20, v1;
	_ =	sdelay $0x1  }
0x51: {  	v21 =	vadd.s32 v2, v21;
	_ =	sdelay $0x3  }
0x52: {  	s12 =	simm.s32 $0x8300;
	v20 =	vperm.xlane v20, v3  }
0x53: {  	[tilespmem:s12], [sflag:$0x1] =	stream.indirect_vreg.gather [hbm4b:s2+s4], $0x80, v21, vm0, $0xb8;
	[tilespmem:$0x1A300] =	vst v63  }
0x54: {  	s13 =	simm.s32 $0x8B00;
	v20 =	vadd.s32 v2, v20  }
0x55: {  	[tilespmem:s13], [sflag:$0x1] =	stream.indirect_vreg.gather [hbm4b:s7+s4], $0x80, v21, vm0, $0xb8;
	[tilespmem:$0x1A300] =	vst v63  }
0x56: {  	s14 =	simm.s32 $0x9300  }
0x57: {  	[tilespmem:s14], [sflag:$0x1] =	stream.indirect_vreg.gather [hbm4b:s11+s4], $0x80, v21, vm0, $0xb8;
	[tilespmem:$0x1A300] =	vst v63  }
0x58: {  	s15 =	simm.s32 $0x9B00  }
0x59: {  	[tilespmem:s15], [sflag:$0x1] =	stream.indirect_vreg.gather [hbm4b:s2+s4], $0x80, v20, vm0, $0xb8;
	[tilespmem:$0x1A300] =	vst v63  }
0x5a: {  	s16 =	simm.s32 $0xA300  }
0x5b: {  	[tilespmem:s16], [sflag:$0x1] =	stream.indirect_vreg.gather [hbm4b:s7+s4], $0x80, v20, vm0, $0xb8;
	[tilespmem:$0x1A300] =	vst v63  }
0x5c: {  	s17 =	simm.s32 $0xAB00  }
0x5d: {  	[tilespmem:s17], [sflag:$0x1] =	stream.indirect_vreg.gather [hbm4b:s11+s4], $0x80, v20, vm0, $0xb8;
	[tilespmem:$0x1A300] =	vst v63  }
0x5e: {  	v20 =	vld [tilespmem:s6+$0x30];
	_ =	sdelay $0x4  }
0x5f: {  	v21 =	vshrl.u32 v20, $0x3  }
0x60: {  	v21 =	vmul.u32 $0x30, v21  }
0x61: {  	v20 =	vand.u32 $0x7, v20  }
0x62: {  	v20 =	vor.u32 v20, v21  }
0x63: {  	v21 =	vperm.xlane v20, v1;
	_ =	sdelay $0x1  }
0x64: {  	v21 =	vadd.s32 v2, v21;
	_ =	sdelay $0x3  }
0x65: {  	s19 =	simm.s32 $0xB300;
	v20 =	vperm.xlane v20, v3  }
0x66: {  	[tilespmem:s19], [sflag:$0x1] =	stream.indirect_vreg.gather [hbm4b:s2+s4], $0x80, v21, vm0, $0xb8;
	[tilespmem:$0x1A300] =	vst v63  }
0x67: {  	s21 =	simm.s32 $0xBB00;
	v20 =	vadd.s32 v2, v20  }
0x68: {  	[tilespmem:s21], [sflag:$0x1] =	stream.indirect_vreg.gather [hbm4b:s7+s4], $0x80, v21, vm0, $0xb8;
	[tilespmem:$0x1A300] =	vst v63  }
0x69: {  	s22 =	simm.s32 $0xC300  }
0x6a: {  	[tilespmem:s22], [sflag:$0x1] =	stream.indirect_vreg.gather [hbm4b:s11+s4], $0x80, v21, vm0, $0xb8;
	[tilespmem:$0x1A300] =	vst v63  }
0x6b: {  	s23 =	simm.s32 $0xCB00  }
0x6c: {  	[tilespmem:s23], [sflag:$0x1] =	stream.indirect_vreg.gather [hbm4b:s2+s4], $0x80, v20, vm0, $0xb8;
	[tilespmem:$0x1A300] =	vst v63  }
0x6d: {  	s24 =	simm.s32 $0xD300  }
0x6e: {  	[tilespmem:s24], [sflag:$0x1] =	stream.indirect_vreg.gather [hbm4b:s7+s4], $0x80, v20, vm0, $0xb8;
	[tilespmem:$0x1A300] =	vst v63  }
0x6f: {  	s25 =	simm.s32 $0xDB00;
	s26 =	rddreg [dreg:$0x6]  }
0x70: {  	[tilespmem:s25], [sflag:$0x1] =	stream.indirect_vreg.gather [hbm4b:s11+s4], $0x80, v20, vm0, $0xb8;
	[tilespmem:$0x1A300] =	vst v63  }
0x71: {  	v20 =	vld [tilespmem:s26+$0x0];
	_ =	sdelay $0x4  }
0x72: {  	v21 =	vshrl.u32 v20, $0x3  }
0x73: {  	v21 =	vmul.u32 $0x30, v21  }
0x74: {  	v20 =	vand.u32 $0x7, v20  }
0x75: {  	v20 =	vor.u32 v20, v21  }
0x76: {  	v21 =	vperm.xlane v20, v1;
	_ =	sdelay $0x1  }
0x77: {  	v21 =	vadd.s32 v2, v21;
	_ =	sdelay $0x3  }
0x78: {  	v20 =	vperm.xlane v20, v3  }
0x79: {  	[tilespmem:s20], [sflag:$0x2] =	stream.indirect_vreg.gather [hbm4b:s2+s4], $0x80, v21, vm0, $0xb8;
	[tilespmem:$0x1A300] =	vst v63  }
0x7a: {  	s3 =	simm.s32 $0xEB00;
	v20 =	vadd.s32 v2, v20  }
0x7b: {  	[tilespmem:s3], [sflag:$0x2] =	stream.indirect_vreg.gather [hbm4b:s7+s4], $0x80, v21, vm0, $0xb8;
	[tilespmem:$0x1A300] =	vst v63  }
0x7c: {  	s28 =	simm.s32 $0xF300  }
0x7d: {  	[tilespmem:s28], [sflag:$0x2] =	stream.indirect_vreg.gather [hbm4b:s11+s4], $0x80, v21, vm0, $0xb8;
	[tilespmem:$0x1A300] =	vst v63  }
0x7e: {  	s30 =	simm.s32 $0xFB00  }
0x7f: {  	[tilespmem:s30], [sflag:$0x2] =	stream.indirect_vreg.gather [hbm4b:s2+s4], $0x80, v20, vm0, $0xb8;
	[tilespmem:$0x1A300] =	vst v63  }
0x80: {  	s31 =	simm.s32 $0x10300  }
0x81: {  	[tilespmem:s31], [sflag:$0x2] =	stream.indirect_vreg.gather [hbm4b:s7+s4], $0x80, v20, vm0, $0xb8;
	[tilespmem:$0x1A300] =	vst v63  }
0x82: {  	s8 =	simm.s32 $0x10B00  }
0x83: {  	[tilespmem:s8], [sflag:$0x2] =	stream.indirect_vreg.gather [hbm4b:s11+s4], $0x80, v20, vm0, $0xb8;
	[tilespmem:$0x1A300] =	vst v63  }
0x84: {  	v20 =	vld [tilespmem:s26+$0x10];
	_ =	sdelay $0x4  }
0x85: {  	v21 =	vshrl.u32 v20, $0x3  }
0x86: {  	v21 =	vmul.u32 $0x30, v21  }
0x87: {  	v20 =	vand.u32 $0x7, v20  }
0x88: {  	v20 =	vor.u32 v20, v21  }
0x89: {  	v21 =	vperm.xlane v20, v1;
	_ =	sdelay $0x1  }
0x8a: {  	v21 =	vadd.s32 v2, v21;
	_ =	sdelay $0x3  }
0x8b: {  	s10 =	simm.s32 $0x11300;
	v20 =	vperm.xlane v20, v3  }
0x8c: {  	[tilespmem:s10], [sflag:$0x2] =	stream.indirect_vreg.gather [hbm4b:s2+s4], $0x80, v21, vm0, $0xb8;
	[tilespmem:$0x1A300] =	vst v63  }
0x8d: {  	s12 =	simm.s32 $0x11B00;
	v20 =	vadd.s32 v2, v20  }
0x8e: {  	[tilespmem:s12], [sflag:$0x2] =	stream.indirect_vreg.gather [hbm4b:s7+s4], $0x80, v21, vm0, $0xb8;
	[tilespmem:$0x1A300] =	vst v63  }
0x8f: {  	s13 =	simm.s32 $0x12300  }
0x90: {  	[tilespmem:s13], [sflag:$0x2] =	stream.indirect_vreg.gather [hbm4b:s11+s4], $0x80, v21, vm0, $0xb8;
	[tilespmem:$0x1A300] =	vst v63  }
0x91: {  	s14 =	simm.s32 $0x12B00  }
0x92: {  	[tilespmem:s14], [sflag:$0x2] =	stream.indirect_vreg.gather [hbm4b:s2+s4], $0x80, v20, vm0, $0xb8;
	[tilespmem:$0x1A300] =	vst v63  }
0x93: {  	s15 =	simm.s32 $0x13300  }
0x94: {  	[tilespmem:s15], [sflag:$0x2] =	stream.indirect_vreg.gather [hbm4b:s7+s4], $0x80, v20, vm0, $0xb8;
	[tilespmem:$0x1A300] =	vst v63  }
0x95: {  	s16 =	simm.s32 $0x13B00  }
0x96: {  	[tilespmem:s16], [sflag:$0x2] =	stream.indirect_vreg.gather [hbm4b:s11+s4], $0x80, v20, vm0, $0xb8;
	[tilespmem:$0x1A300] =	vst v63  }
0x97: {  	v20 =	vld [tilespmem:s26+$0x20];
	_ =	sdelay $0x4  }
0x98: {  	v21 =	vshrl.u32 v20, $0x3  }
0x99: {  	v21 =	vmul.u32 $0x30, v21  }
0x9a: {  	v20 =	vand.u32 $0x7, v20  }
0x9b: {  	v20 =	vor.u32 v20, v21  }
0x9c: {  	v21 =	vperm.xlane v20, v1;
	_ =	sdelay $0x1  }
0x9d: {  	v21 =	vadd.s32 v2, v21;
	_ =	sdelay $0x3  }
0x9e: {  	s17 =	simm.s32 $0x14300;
	v20 =	vperm.xlane v20, v3  }
0x9f: {  	[tilespmem:s17], [sflag:$0x2] =	stream.indirect_vreg.gather [hbm4b:s2+s4], $0x80, v21, vm0, $0xb8;
	[tilespmem:$0x1A300] =	vst v63  }
0xa0: {  	s19 =	simm.s32 $0x14B00;
	v20 =	vadd.s32 v2, v20  }
0xa1: {  	[tilespmem:s19], [sflag:$0x2] =	stream.indirect_vreg.gather [hbm4b:s7+s4], $0x80, v21, vm0, $0xb8;
	[tilespmem:$0x1A300] =	vst v63  }
0xa2: {  	s20 =	simm.s32 $0x15300  }
0xa3: {  	[tilespmem:s20], [sflag:$0x2] =	stream.indirect_vreg.gather [hbm4b:s11+s4], $0x80, v21, vm0, $0xb8;
	[tilespmem:$0x1A300] =	vst v63  }
0xa4: {  	s21 =	simm.s32 $0x15B00  }
0xa5: {  	[tilespmem:s21], [sflag:$0x2] =	stream.indirect_vreg.gather [hbm4b:s2+s4], $0x80, v20, vm0, $0xb8;
	[tilespmem:$0x1A300] =	vst v63  }
0xa6: {  	s22 =	simm.s32 $0x16300  }
0xa7: {  	[tilespmem:s22], [sflag:$0x2] =	stream.indirect_vreg.gather [hbm4b:s7+s4], $0x80, v20, vm0, $0xb8;
	[tilespmem:$0x1A300] =	vst v63  }
0xa8: {  	s23 =	simm.s32 $0x16B00  }
0xa9: {  	[tilespmem:s23], [sflag:$0x2] =	stream.indirect_vreg.gather [hbm4b:s11+s4], $0x80, v20, vm0, $0xb8;
	[tilespmem:$0x1A300] =	vst v63  }
0xaa: {  	v20 =	vld [tilespmem:s26+$0x30];
	_ =	sdelay $0x4  }
0xab: {  	v21 =	vshrl.u32 v20, $0x3  }
0xac: {  	v21 =	vmul.u32 $0x30, v21  }
0xad: {  	v20 =	vand.u32 $0x7, v20  }
0xae: {  	v20 =	vor.u32 v20, v21  }
0xaf: {  	v21 =	vperm.xlane v20, v1;
	_ =	sdelay $0x1  }
0xb0: {  	v21 =	vadd.s32 v2, v21;
	_ =	sdelay $0x3  }
0xb1: {  	s24 =	simm.s32 $0x17300;
	v20 =	vperm.xlane v20, v3  }
0xb2: {  	[tilespmem:s24], [sflag:$0x2] =	stream.indirect_vreg.gather [hbm4b:s2+s4], $0x80, v21, vm0, $0xb8;
	[tilespmem:$0x1A300] =	vst v63  }
0xb3: {  	s25 =	simm.s32 $0x17B00;
	v20 =	vadd.s32 v2, v20  }
0xb4: {  	[tilespmem:s25], [sflag:$0x2] =	stream.indirect_vreg.gather [hbm4b:s7+s4], $0x80, v21, vm0, $0xb8;
	[tilespmem:$0x1A300] =	vst v63  }
0xb5: {  	s26 =	simm.s32 $0x18300  }
0xb6: {  	[tilespmem:s26], [sflag:$0x2] =	stream.indirect_vreg.gather [hbm4b:s11+s4], $0x80, v21, vm0, $0xb8;
	[tilespmem:$0x1A300] =	vst v63  }
0xb7: {  	s28 =	simm.s32 $0x18B00  }
0xb8: {  	[tilespmem:s28], [sflag:$0x2] =	stream.indirect_vreg.gather [hbm4b:s2+s4], $0x80, v20, vm0, $0xb8;
	[tilespmem:$0x1A300] =	vst v63  }
.Ltmp2:
0xb9: {  	_ = 	snop;
	(pc) =	sbr.rel @p0 .LBB2_5-.Ltmp2, $4  }
0xba: {  	s30 =	simm.s32 $0x19300  }
0xbb: {  	[tilespmem:s30], [sflag:$0x2] =	stream.indirect_vreg.gather [hbm4b:s7+s4], $0x80, v20, vm0, $0xb8;
	[tilespmem:$0x1A300] =	vst v63  }
0xbc: {  	s31 =	simm.s32 $0x19B00  }
0xbd: {  	[tilespmem:s31], [sflag:$0x2] =	stream.indirect_vreg.gather [hbm4b:s11+s4], $0x80, v20, vm0, $0xb8;
	v20 =	vimm.s32 $0x0;
	[tilespmem:$0x1A300] =	vst v63  }
0xbe: {  	s0 =	rddreg [dreg:$0xd]  }
0xbf: {  	v20 =	vld [tilespmem:s4+$0x0];
	p1 =	sne.s32 s0, $0x1  }
.Ltmp3:
0xc0: {  	_ = 	snop;
	(pc) =	sbr.rel @!p1 .LBB2_4-.Ltmp3, $2  }
0xc1: {  	_ =	sdelay $0x2  }
0xc2: {  	s3 =	sadd.s32 $0x10, s4;
	s0 =	sadd.s32 $0xFFFFFFFF, s0;
	vm1 =	veq.s32 v20, $0x40000;
	v20 =	vimm.s32 $0x0  }
.LBB2_3:
0xc3: {  	v21 =	vld [tilespmem:s3+$0x0];
	p1 =	sne.s32 s0, $0x1;
	s0 =	sadd.s32 $0xFFFFFFFF, s0;
	v22 =	vsel vm1, $0x1, v4  }
.Ltmp4:
0xc4: {  	v20 =	vadd.s32 v22, v20;
	(pc) =	sbr.rel @p1 .LBB2_3-.Ltmp4, $2  }
0xc5: {  	_ =	sdelay $0x2  }
0xc6: {  	s3 =	sadd.s32 $0x10, s3;
	vm1 =	veq.s32 v21, $0x40000  }
.LBB2_4:
0xc7: {  	v21 =	vsel vm1, $0x1, v4  }
0xc8: {  	v20 =	vadd.s32 v21, v20  }
.LBB2_5:
0xc9: {  	v21 =	vld [tilespmem:s6+$0x0];
	_ =	sdelay $0x3  }
0xca: {  	(xrf0) =	vadd.scan.msk.s32 $0xffff, v20  }
0xcb: {  	vm1 =	veq.s32 v21, $0x40000  }
0xcc: {  	v20 =	vsel vm1, $0x1, v4  }
0xcd: {  	(xrf0) =	vadd.scan.msk.s32 $0xffff, v20;
	_ =	sdelay $0x2  }
0xce: {  	v20, _, _ =	vpop (xrf0)  }
0xcf: {  	v48 =	vadd.s32 $0xFFFFFFFF, v20  }
0xd0: {  	v21 =	vbroadcast v48, $0xF  }
0xd1: {  	v22, _, _ =	vpop (xrf0)  }
0xd2: {  	(v2sf) =	vpush v20, $0xF;
	v20 =	vadd.s32 v22, v21  }
0xd3: {  	s15 =	simm.s32 $0x2000;
	(v2sf) =	vpush v22, $0xF;
	vm2 =	vlt.s32 v20, $0x3FF  }
0xd4: {  	s20 =	simm.s32 $0x2180;
	[tilespmem:s15+$0x0] =	vst.msk vm1, v0;
	v20 =	vnsel vm2, $0x3FF, v20  }
0xd5: {  	[tilespmem:s20+$0x0] =	vst.msk vm1, v20  }
0xd6: {  	v20 =	vld [tilespmem:s6+$0x10];
	_ =	sdelay $0x4  }
0xd7: {  	vm1 =	veq.s32 v20, $0x40000  }
0xd8: {  	v20 =	vsel vm1, $0x1, v4  }
0xd9: {  	(xrf0) =	vadd.scan.msk.s32 $0xffff, v20;
	_ =	sdelay $0x3  }
0xda: {  	s17 =	spop (v2sf)  }
0xdb: {  	s0 =	spop (v2sf)  }
0xdc: {  	s3 =	sadd.s32 s17, s0;
	v20, _, _ =	vpop (xrf0)  }
0xdd: {  	v49 =	vmov s3;
	(v2sf) =	vpush v20, $0xF  }
0xde: {  	v21 =	vadd.s32 $0xFFFFFFFF, v49  }
0xdf: {  	v21 =	vbroadcast v21, $0x0;
	_ =	sdelay $0x1  }
0xe0: {  	v20 =	vadd.s32 v20, v21  }
0xe1: {  	vm2 =	vlt.s32 v20, $0x3FF  }
0xe2: {  	[tilespmem:s0+$0x2000] =	vst.msk vm1, v5;
	v20 =	vnsel vm2, $0x3FF, v20  }
0xe3: {  	[tilespmem:s0+$0x2180] =	vst.msk vm1, v20  }
0xe4: {  	v20 =	vld [tilespmem:s6+$0x20];
	_ =	sdelay $0x4  }
0xe5: {  	vm1 =	veq.s32 v20, $0x40000  }
0xe6: {  	v20 =	vsel vm1, $0x1, v4  }
0xe7: {  	(xrf0) =	vadd.scan.msk.s32 $0xffff, v20;
	s23 =	spop (v2sf)  }
0xe8: {  	s16 =	sadd.s32 s0, s23  }
0xe9: {  	s0 =	sadd.s32 s17, s16  }
0xea: {  	v20 =	vmov s0  }
0xeb: {  	v20 =	vadd.s32 $0xFFFFFFFF, v20  }
0xec: {  	v20 =	vbroadcast v20, $0x0  }
0xed: {  	v50, _, _ =	vpop (xrf0)  }
0xee: {  	(v2sf) =	vpush v50, $0xF;
	v20 =	vadd.s32 v50, v20  }
0xef: {  	vm2 =	vlt.s32 v20, $0x3FF  }
0xf0: {  	[tilespmem:s16+$0x2000] =	vst.msk vm1, v6;
	v20 =	vnsel vm2, $0x3FF, v20  }
0xf1: {  	[tilespmem:s16+$0x2180] =	vst.msk vm1, v20  }
0xf2: {  	v20 =	vld [tilespmem:s6+$0x30];
	_ =	sdelay $0x4  }
0xf3: {  	vm1 =	veq.s32 v20, $0x40000  }
0xf4: {  	v20 =	vsel vm1, $0x1, v4  }
0xf5: {  	(xrf0) =	vadd.scan.msk.s32 $0xffff, v20;
	_ =	sdelay $0x3  }
0xf6: {  	s24 =	spop (v2sf)  }
0xf7: {  	s0 =	sadd.s32 s16, s24  }
0xf8: {  	s25 =	sadd.s32 s17, s0;
	v20, _, _ =	vpop (xrf0)  }
0xf9: {  	v51 =	vmov s25;
	(v2sf) =	vpush v20, $0xF  }
0xfa: {  	v21 =	vadd.s32 $0xFFFFFFFF, v51  }
0xfb: {  	v21 =	vbroadcast v21, $0x0;
	_ =	sdelay $0x1  }
0xfc: {  	v20 =	vadd.s32 v20, v21  }
0xfd: {  	vm2 =	vlt.s32 v20, $0x3FF  }
0xfe: {  	[tilespmem:s0+$0x2000] =	vst.msk vm1, v7;
	v20 =	vnsel vm2, $0x3FF, v20  }
0xff: {  	[tilespmem:s0+$0x2180] =	vst.msk vm1, v20  }
0x100: {  	v20 =	vld [tilespmem:s6+$0x40];
	_ =	sdelay $0x4  }
0x101: {  	vm1 =	veq.s32 v20, $0x40000  }
0x102: {  	v20 =	vsel vm1, $0x1, v4  }
0x103: {  	(xrf0) =	vadd.scan.msk.s32 $0xffff, v20;
	s26 =	spop (v2sf)  }
0x104: {  	s3 =	sadd.s32 s0, s26  }
0x105: {  	s0 =	sadd.s32 s17, s3  }
0x106: {  	v20 =	vmov s0  }
0x107: {  	v20 =	vadd.s32 $0xFFFFFFFF, v20  }
0x108: {  	v20 =	vbroadcast v20, $0x0  }
0x109: {  	v52, _, _ =	vpop (xrf0)  }
0x10a: {  	(v2sf) =	vpush v52, $0xF;
	v20 =	vadd.s32 v52, v20  }
0x10b: {  	vm2 =	vlt.s32 v20, $0x3FF  }
0x10c: {  	[tilespmem:s3+$0x2000] =	vst.msk vm1, v8;
	v20 =	vnsel vm2, $0x3FF, v20  }
0x10d: {  	[tilespmem:s3+$0x2180] =	vst.msk vm1, v20  }
0x10e: {  	v20 =	vld [tilespmem:s6+$0x50];
	_ =	sdelay $0x4  }
0x10f: {  	vm1 =	veq.s32 v20, $0x40000  }
0x110: {  	v20 =	vsel vm1, $0x1, v4  }
0x111: {  	(xrf0) =	vadd.scan.msk.s32 $0xffff, v20;
	_ =	sdelay $0x3  }
0x112: {  	s22 =	spop (v2sf)  }
0x113: {  	s8 =	sadd.s32 s3, s22  }
0x114: {  	s12 =	sadd.s32 s17, s8;
	v20, _, _ =	vpop (xrf0)  }
0x115: {  	v53 =	vmov s12;
	(v2sf) =	vpush v20, $0xF  }
0x116: {  	v21 =	vadd.s32 $0xFFFFFFFF, v53  }
0x117: {  	v21 =	vbroadcast v21, $0x0;
	_ =	sdelay $0x1  }
0x118: {  	v20 =	vadd.s32 v20, v21  }
0x119: {  	vm2 =	vlt.s32 v20, $0x3FF  }
0x11a: {  	[tilespmem:s8+$0x2000] =	vst.msk vm1, v9;
	v20 =	vnsel vm2, $0x3FF, v20  }
0x11b: {  	[tilespmem:s8+$0x2180] =	vst.msk vm1, v20  }
0x11c: {  	v20 =	vld [tilespmem:s6+$0x60];
	_ =	sdelay $0x4  }
0x11d: {  	vm1 =	veq.s32 v20, $0x40000  }
0x11e: {  	v20 =	vsel vm1, $0x1, v4  }
0x11f: {  	(xrf0) =	vadd.scan.msk.s32 $0xffff, v20;
	s23 =	spop (v2sf)  }
0x120: {  	s0 =	sadd.s32 s8, s23  }
0x121: {  	s10 =	sadd.s32 s17, s0  }
0x122: {  	v20 =	vmov s10  }
0x123: {  	v20 =	vadd.s32 $0xFFFFFFFF, v20  }
0x124: {  	v20 =	vbroadcast v20, $0x0  }
0x125: {  	v54, _, _ =	vpop (xrf0)  }
0x126: {  	(v2sf) =	vpush v54, $0xF;
	v20 =	vadd.s32 v54, v20  }
0x127: {  	vm2 =	vlt.s32 v20, $0x3FF  }
0x128: {  	[tilespmem:s0+$0x2000] =	vst.msk vm1, v10;
	v20 =	vnsel vm2, $0x3FF, v20  }
0x129: {  	[tilespmem:s0+$0x2180] =	vst.msk vm1, v20  }
0x12a: {  	v20 =	vld [tilespmem:s6+$0x70];
	_ =	sdelay $0x4  }
0x12b: {  	vm1 =	veq.s32 v20, $0x40000  }
0x12c: {  	v20 =	vsel vm1, $0x1, v4  }
0x12d: {  	(xrf0) =	vadd.scan.msk.s32 $0xffff, v20;
	_ =	sdelay $0x3  }
0x12e: {  	[dreg:$0xe] =	wrdreg s24;
	s24 =	spop (v2sf)  }
0x12f: {  	s0 =	sadd.s32 s0, s24  }
0x130: {  	s13 =	sadd.s32 s17, s0;
	v20, _, _ =	vpop (xrf0)  }
0x131: {  	v55 =	vmov s13;
	(v2sf) =	vpush v20, $0xF  }
0x132: {  	v21 =	vadd.s32 $0xFFFFFFFF, v55  }
0x133: {  	v21 =	vbroadcast v21, $0x0;
	_ =	sdelay $0x1  }
0x134: {  	v20 =	vadd.s32 v20, v21  }
0x135: {  	vm2 =	vlt.s32 v20, $0x3FF  }
0x136: {  	[tilespmem:s0+$0x2000] =	vst.msk vm1, v11;
	v20 =	vnsel vm2, $0x3FF, v20  }
0x137: {  	[tilespmem:s0+$0x2180] =	vst.msk vm1, v20  }
0x138: {  	v20 =	vld [tilespmem:s9+$0x0];
	_ =	sdelay $0x4  }
0x139: {  	vm1 =	veq.s32 v20, $0x40000  }
0x13a: {  	v20 =	vsel vm1, $0x1, v4  }
0x13b: {  	(xrf0) =	vadd.scan.msk.s32 $0xffff, v20;
	s25 =	spop (v2sf)  }
0x13c: {  	s13 =	sadd.s32 s0, s25  }
0x13d: {  	s0 =	sadd.s32 s17, s13  }
0x13e: {  	v20 =	vmov s0  }
0x13f: {  	v20 =	vadd.s32 $0xFFFFFFFF, v20  }
0x140: {  	v20 =	vbroadcast v20, $0x0  }
0x141: {  	v56, _, _ =	vpop (xrf0)  }
0x142: {  	(v2sf) =	vpush v56, $0xF;
	v20 =	vadd.s32 v56, v20  }
0x143: {  	vm2 =	vlt.s32 v20, $0x3FF  }
0x144: {  	[tilespmem:s13+$0x2000] =	vst.msk vm1, v12;
	v20 =	vnsel vm2, $0x3FF, v20  }
0x145: {  	[tilespmem:s13+$0x2180] =	vst.msk vm1, v20  }
0x146: {  	v20 =	vld [tilespmem:s6+$0x90];
	_ =	sdelay $0x4  }
0x147: {  	vm1 =	veq.s32 v20, $0x40000  }
0x148: {  	v20 =	vsel vm1, $0x1, v4  }
0x149: {  	(xrf0) =	vadd.scan.msk.s32 $0xffff, v20;
	_ =	sdelay $0x3  }
0x14a: {  	[dreg:$0xf] =	wrdreg s26;
	s26 =	spop (v2sf)  }
0x14b: {  	s14 =	sadd.s32 s13, s26  }
0x14c: {  	s19 =	sadd.s32 s17, s14;
	v20, _, _ =	vpop (xrf0)  }
0x14d: {  	v57 =	vmov s19;
	(v2sf) =	vpush v20, $0xF  }
0x14e: {  	v21 =	vadd.s32 $0xFFFFFFFF, v57  }
0x14f: {  	v21 =	vbroadcast v21, $0x0;
	_ =	sdelay $0x1  }
0x150: {  	v20 =	vadd.s32 v20, v21  }
0x151: {  	vm2 =	vlt.s32 v20, $0x3FF  }
0x152: {  	[tilespmem:s14+$0x2000] =	vst.msk vm1, v13;
	v20 =	vnsel vm2, $0x3FF, v20  }
0x153: {  	[tilespmem:s14+$0x2180] =	vst.msk vm1, v20  }
0x154: {  	v20 =	vld [tilespmem:s6+$0xA0];
	_ =	sdelay $0x4  }
0x155: {  	vm1 =	veq.s32 v20, $0x40000  }
0x156: {  	v20 =	vsel vm1, $0x1, v4  }
0x157: {  	(xrf0) =	vadd.scan.msk.s32 $0xffff, v20;
	s12 =	spop (v2sf)  }
0x158: {  	s0 =	sadd.s32 s14, s12  }
0x159: {  	s14 =	sadd.s32 s17, s0  }
0x15a: {  	v20 =	vmov s14  }
0x15b: {  	v20 =	vadd.s32 $0xFFFFFFFF, v20  }
0x15c: {  	v20 =	vbroadcast v20, $0x0  }
0x15d: {  	v58, _, _ =	vpop (xrf0)  }
0x15e: {  	(v2sf) =	vpush v58, $0xF;
	v20 =	vadd.s32 v58, v20  }
0x15f: {  	vm2 =	vlt.s32 v20, $0x3FF  }
0x160: {  	[tilespmem:s0+$0x2000] =	vst.msk vm1, v14;
	v20 =	vnsel vm2, $0x3FF, v20  }
0x161: {  	[tilespmem:s0+$0x2180] =	vst.msk vm1, v20  }
0x162: {  	v20 =	vld [tilespmem:s6+$0xB0];
	_ =	sdelay $0x4  }
0x163: {  	vm1 =	veq.s32 v20, $0x40000  }
0x164: {  	v20 =	vsel vm1, $0x1, v4  }
0x165: {  	(xrf0) =	vadd.scan.msk.s32 $0xffff, v20;
	_ =	sdelay $0x3  }
0x166: {  	s28 =	spop (v2sf)  }
0x167: {  	s0 =	sadd.s32 s0, s28  }
0x168: {  	s21 =	sadd.s32 s17, s0;
	v20, _, _ =	vpop (xrf0)  }
0x169: {  	v59 =	vmov s21;
	(v2sf) =	vpush v20, $0xF  }
0x16a: {  	v21 =	vadd.s32 $0xFFFFFFFF, v59  }
0x16b: {  	v21 =	vbroadcast v21, $0x0;
	_ =	sdelay $0x1  }
0x16c: {  	v20 =	vadd.s32 v20, v21  }
0x16d: {  	vm2 =	vlt.s32 v20, $0x3FF  }
0x16e: {  	[tilespmem:s0+$0x2000] =	vst.msk vm1, v15;
	v20 =	vnsel vm2, $0x3FF, v20  }
0x16f: {  	[tilespmem:s0+$0x2180] =	vst.msk vm1, v20  }
0x170: {  	v20 =	vld [tilespmem:s6+$0xC0];
	_ =	sdelay $0x4  }
0x171: {  	vm1 =	veq.s32 v20, $0x40000  }
0x172: {  	v20 =	vsel vm1, $0x1, v4  }
0x173: {  	(xrf0) =	vadd.scan.msk.s32 $0xffff, v20;
	s30 =	spop (v2sf)  }
0x174: {  	s31 =	sadd.s32 s0, s30  }
0x175: {  	s0 =	sadd.s32 s17, s31  }
0x176: {  	v20 =	vmov s0  }
0x177: {  	v20 =	vadd.s32 $0xFFFFFFFF, v20  }
0x178: {  	v20 =	vbroadcast v20, $0x0  }
0x179: {  	v60, _, _ =	vpop (xrf0)  }
0x17a: {  	(v2sf) =	vpush v60, $0xF;
	v20 =	vadd.s32 v60, v20  }
0x17b: {  	vm2 =	vlt.s32 v20, $0x3FF  }
0x17c: {  	[tilespmem:s31+$0x2000] =	vst.msk vm1, v16;
	v20 =	vnsel vm2, $0x3FF, v20  }
0x17d: {  	[tilespmem:s31+$0x2180] =	vst.msk vm1, v20  }
0x17e: {  	v20 =	vld [tilespmem:s6+$0xD0];
	_ =	sdelay $0x4  }
0x17f: {  	vm1 =	veq.s32 v20, $0x40000  }
0x180: {  	v20 =	vsel vm1, $0x1, v4  }
0x181: {  	(xrf0) =	vadd.scan.msk.s32 $0xffff, v20;
	_ =	sdelay $0x3  }
0x182: {  	s8 =	spop (v2sf)  }
0x183: {  	s0 =	sadd.s32 s31, s8  }
0x184: {  	s10 =	sadd.s32 s17, s0;
	v20, _, _ =	vpop (xrf0)  }
0x185: {  	v61 =	vmov s10;
	(v2sf) =	vpush v20, $0xF  }
0x186: {  	v21 =	vadd.s32 $0xFFFFFFFF, v61  }
0x187: {  	v21 =	vbroadcast v21, $0x0;
	_ =	sdelay $0x1  }
0x188: {  	v20 =	vadd.s32 v20, v21  }
0x189: {  	vm2 =	vlt.s32 v20, $0x3FF  }
0x18a: {  	[tilespmem:s0+$0x2000] =	vst.msk vm1, v17;
	v20 =	vnsel vm2, $0x3FF, v20  }
0x18b: {  	[tilespmem:s0+$0x2180] =	vst.msk vm1, v20  }
0x18c: {  	v20 =	vld [tilespmem:s6+$0xE0];
	_ =	sdelay $0x4  }
0x18d: {  	vm1 =	veq.s32 v20, $0x40000  }
0x18e: {  	v20 =	vsel vm1, $0x1, v4  }
0x18f: {  	[dreg:$0x10] =	wrdreg s8;
	(xrf0) =	vadd.scan.msk.s32 $0xffff, v20;
	s8 =	spop (v2sf)  }
0x190: {  	s19 =	sadd.s32 s0, s8  }
0x191: {  	s0 =	sadd.s32 s17, s19  }
0x192: {  	v20 =	vmov s0  }
0x193: {  	v20 =	vadd.s32 $0xFFFFFFFF, v20  }
0x194: {  	v20 =	vbroadcast v20, $0x0  }
0x195: {  	v62, _, _ =	vpop (xrf0)  }
0x196: {  	v20 =	vadd.s32 v62, v20  }
0x197: {  	vm2 =	vlt.s32 v20, $0x3FF  }
0x198: {  	[tilespmem:s19+$0x2000] =	vst.msk vm1, v18;
	v20 =	vnsel vm2, $0x3FF, v20  }
0x199: {  	[tilespmem:s19+$0x2180] =	vst.msk vm1, v20  }
0x19a: {  	v20 =	vld [tilespmem:s6+$0xF0];
	_ =	sdelay $0x3  }
0x19b: {  	(v2sf) =	vpush v62, $0xF  }
0x19c: {  	vm1 =	veq.s32 v20, $0x40000  }
0x19d: {  	v20 =	vsel vm1, $0x1, v4  }
0x19e: {  	(xrf0) =	vadd.scan.msk.s32 $0xffff, v20;
	_ =	sdelay $0x5  }
0x19f: {  	v20, _, _ =	vpop (xrf0)  }
0x1a0: {  	(v2sf) =	vpush v20, $0xF;
	_ =	sdelay $0x4  }
0x1a1: {  	s14 =	spop (v2sf)  }
0x1a2: {  	s19 =	sadd.s32 s19, s14  }
0x1a3: {  	s17 =	sadd.s32 s17, s19  }
0x1a4: {  	v63 =	vmov s17  }
0x1a5: {  	v21 =	vadd.s32 $0xFFFFFFFF, v63  }
0x1a6: {  	v21 =	vbroadcast v21, $0x0;
	_ =	sdelay $0x1  }
0x1a7: {  	v20 =	vadd.s32 v20, v21  }
0x1a8: {  	p1 =	slt.s32 s3, $0x1;
	vm2 =	vlt.s32 v20, $0x3FF  }
.Ltmp5:
0x1a9: {  	[dreg:$0x11] =	wrdreg s8;
	[tilespmem:s19+$0x2000] =	vst.msk vm1, v19;
	v20 =	vnsel vm2, $0x3FF, v20;
	(pc) =	sbr.rel @p1 .LBB2_9-.Ltmp5, $4  }
0x1aa: {  	s21 =	simm.s32 $0x1;
	[dreg:$0x12] =	wrdreg s14;
	[tilespmem:s19+$0x2180] =	vst.msk vm1, v20;
	s17 =	spop (v2sf)  }
0x1ab: {  	_ =	swait.ge [sflag:s21], $0xC000  }
0x1ac: {  	[sflag:s21] =	ssyncset.done $0x0  }
0x1ad: {  	[sflag:s21] =	ssyncadd.s32 $0xFFFF4000  }
0x1ae: {  	v20 =	vld [tilespmem:s20+$0x0]  }
0x1af: {  	v21 =	vld [tilespmem:s15+$0x0];
	_ =	sdelay $0x3  }
0x1b0: {  	(v2sf) =	vpush v20, $0x0  }
0x1b1: {  	(v2sf) =	vpush v21, $0x0;
	_ =	sdelay $0xd  }
0x1b2: {  	s21 =	spop (v2sf)  }
0x1b3: {  	s8 =	sshrl.u32 s21, $0x3;
	s10 =	spop (v2sf)  }
0x1b4: {  	s8 =	smul.u32 $0x1800, s8;
	s29 =	sshrl.u32 s10, $0x3  }
0x1b5: {  	s21 =	sshll.u32 s21, $0x7;
	s29 =	smul.u32 $0x6000, s29  }
0x1b6: {  	s21 =	sand.u32 $0x380, s21;
	s10 =	sshll.u32 s10, $0x7  }
0x1b7: {  	s10 =	sand.u32 $0x380, s10;
	s8 =	sor.u32 s21, s8;
	s29 =	sshra.s32 s29, $0x2  }
0x1b8: {  	s8 =	sshrl.u32 s8, $0x3;
	s10 =	sor.u32 s10, s29  }
0x1b9: {  	s8 =	sadd.s32 s1, s8;
	s21 =	sadd.s32 $0x2300, s10  }
0x1ba: {  	[tilespmem:s21], [sflag:$0x3] =	stream.linear.gather [hbm4b:s8+s4], $0x80, $0x38;
	[tilespmem:$0x1A300] =	vst v63  }
0x1bb: {  	s0 =	sadd.s32 $0x80, s8;
	s14 =	sadd.s32 $0x2700, s10  }
0x1bc: {  	[tilespmem:s14], [sflag:$0x3] =	stream.linear.gather [hbm4b:s0+s4], $0x80, $0x38;
	[tilespmem:$0x1A300] =	vst v63  }
0x1bd: {  	s0 =	sadd.s32 $0x100, s8;
	s14 =	sadd.s32 $0x2B00, s10  }
0x1be: {  	[tilespmem:s14], [sflag:$0x3] =	stream.linear.gather [hbm4b:s0+s4], $0x80, $0x38;
	[tilespmem:$0x1A300] =	vst v63  }
0x1bf: {  	s0 =	sadd.s32 $0x180, s8;
	s14 =	sadd.s32 $0x2F00, s10  }
0x1c0: {  	[tilespmem:s14], [sflag:$0x3] =	stream.linear.gather [hbm4b:s0+s4], $0x80, $0x38;
	[tilespmem:$0x1A300] =	vst v63  }
0x1c1: {  	p1 =	sne.s32 s3, $0x1;
	s0 =	sadd.s32 $0x200, s8;
	s14 =	sadd.s32 $0x3300, s10  }
0x1c2: {  	[tilespmem:s14], [sflag:$0x3] =	stream.linear.gather [hbm4b:s0+s4], $0x80, $0x38;
	[tilespmem:$0x1A300] =	vst v63  }
.Ltmp6:
0x1c3: {  	_ = 	snop;
	(pc) =	sbr.rel @!p1 .LBB2_8-.Ltmp6, $4  }
0x1c4: {  	s8 =	sadd.s32 $0x280, s8;
	s10 =	sadd.s32 $0x3700, s10  }
0x1c5: {  	[tilespmem:s10], [sflag:$0x3] =	stream.linear.gather [hbm4b:s8+s4], $0x80, $0x38;
	[tilespmem:$0x1A300] =	vst v63  }
0x1c6: {  	_ =	swait.ge [sflag:s18], $0x300  }
0x1c7: {  	s21 =	sadd.s32 $0xFFFFFFFF, s3;
	[sflag:s18] =	ssyncset.done $0x0  }
.LBB2_7:
0x1c8: {  	[sflag:s18] =	ssyncadd.s32 $0xFFFFFD00;
	s20 =	sadd.s32 $0x1, s20;
	s15 =	sadd.s32 $0x1, s15  }
0x1c9: {  	p1 =	sne.s32 s21, $0x1;
	s21 =	sadd.s32 $0xFFFFFFFF, s21;
	v20 =	vld [tilespmem:s20+$0x0];
	_ =	sdelay $0x1  }
0x1ca: {  	v21 =	vld [tilespmem:s15+$0x0];
	_ =	sdelay $0x2  }
0x1cb: {  	(v2sf) =	vpush v20, $0x0;
	_ =	sdelay $0x1  }
0x1cc: {  	(v2sf) =	vpush v21, $0x0;
	_ =	sdelay $0xc  }
0x1cd: {  	s8 =	spop (v2sf)  }
0x1ce: {  	s10 =	sshrl.u32 s8, $0x3;
	s8 =	sshll.u32 s8, $0x7  }
0x1cf: {  	s10 =	smul.u32 $0x1800, s10;
	s29 =	spop (v2sf)  }
0x1d0: {  	s8 =	sand.u32 $0x380, s8;
	s14 =	sshrl.u32 s29, $0x3  }
0x1d1: {  	s8 =	sor.u32 s8, s10;
	s10 =	smul.u32 $0x6000, s14  }
0x1d2: {  	s14 =	sshll.u32 s29, $0x7;
	s8 =	sshrl.u32 s8, $0x3  }
0x1d3: {  	s14 =	sand.u32 $0x380, s14;
	s10 =	sshra.s32 s10, $0x2  }
0x1d4: {  	s10 =	sor.u32 s14, s10  }
0x1d5: {  	s8 =	sadd.s32 s1, s8;
	s14 =	sadd.s32 $0x2300, s10  }
0x1d6: {  	[tilespmem:s14], [sflag:$0x3] =	stream.linear.gather [hbm4b:s8+s4], $0x80, $0x38;
	[tilespmem:$0x1A300] =	vst v63  }
0x1d7: {  	s29 =	sadd.s32 $0x2700, s10;
	s14 =	sadd.s32 $0x80, s8  }
0x1d8: {  	[tilespmem:s29], [sflag:$0x3] =	stream.linear.gather [hbm4b:s14+s4], $0x80, $0x38;
	[tilespmem:$0x1A300] =	vst v63  }
0x1d9: {  	s14 =	sadd.s32 $0x100, s8;
	s29 =	sadd.s32 $0x2B00, s10  }
0x1da: {  	[tilespmem:s29], [sflag:$0x3] =	stream.linear.gather [hbm4b:s14+s4], $0x80, $0x38;
	[tilespmem:$0x1A300] =	vst v63  }
0x1db: {  	s14 =	sadd.s32 $0x180, s8;
	s29 =	sadd.s32 $0x2F00, s10  }
0x1dc: {  	[tilespmem:s29], [sflag:$0x3] =	stream.linear.gather [hbm4b:s14+s4], $0x80, $0x38;
	[tilespmem:$0x1A300] =	vst v63  }
0x1dd: {  	s14 =	sadd.s32 $0x200, s8;
	s29 =	sadd.s32 $0x3300, s10  }
0x1de: {  	[tilespmem:s29], [sflag:$0x3] =	stream.linear.gather [hbm4b:s14+s4], $0x80, $0x38;
	[tilespmem:$0x1A300] =	vst v63  }
.Ltmp7:
0x1df: {  	_ = 	snop;
	(pc) =	sbr.rel @p1 .LBB2_7-.Ltmp7, $4  }
0x1e0: {  	s8 =	sadd.s32 $0x280, s8;
	s10 =	sadd.s32 $0x3700, s10  }
0x1e1: {  	[tilespmem:s10], [sflag:$0x3] =	stream.linear.gather [hbm4b:s8+s4], $0x80, $0x38;
	[tilespmem:$0x1A300] =	vst v63  }
0x1e2: {  	_ =	swait.ge [sflag:s18], $0x300  }
0x1e3: {  	[sflag:s18] =	ssyncset.done $0x0  }
.LBB2_8:
0x1e4: {  	[sflag:s18] =	ssyncadd.s32 $0xFFFFFD00;
	s29 =	simm.s32 $0x2300  }
.LBB2_9:
0x1e5: {  	s0 =	rddreg [dreg:$0x8]  }
0x1e6: {  	[hbm4b:s0+s4] =	stream.linear.scatter [tilespmem:s29], [sflag:$0x3], $0xC000, $0x38;
	[tilespmem:$0x1A300] =	vst v63  }
0x1e7: {  	_ =	swait.ge [sflag:s18], $0xC000  }
0x1e8: {  	[sflag:s18] =	ssyncset.done $0x0  }
0x1e9: {  	[sflag:s18] =	ssyncadd.s32 $0xFFFF4000  }
0x1ea: {  	v20 =	vld [tilespmem:s9+$0x0];
	_ =	sdelay $0x4  }
0x1eb: {  	v21 =	vshrl.u32 v20, $0x3  }
0x1ec: {  	v21 =	vmul.u32 $0x30, v21  }
0x1ed: {  	v20 =	vand.u32 $0x7, v20  }
0x1ee: {  	v20 =	vor.u32 v20, v21  }
0x1ef: {  	v21 =	vperm.xlane v20, v1;
	_ =	sdelay $0x1  }
0x1f0: {  	v21 =	vadd.s32 v2, v21;
	_ =	sdelay $0x3  }
0x1f1: {  	v20 =	vperm.xlane v20, v3  }
0x1f2: {  	[tilespmem:s29], [sflag:$0x1] =	stream.indirect_vreg.gather [hbm4b:s2+s4], $0x80, v21, vm0, $0xb8;
	[tilespmem:$0x1A300] =	vst v63  }
0x1f3: {  	s8 =	simm.s32 $0x2B00;
	v20 =	vadd.s32 v2, v20  }
0x1f4: {  	[tilespmem:s8], [sflag:$0x1] =	stream.indirect_vreg.gather [hbm4b:s7+s4], $0x80, v21, vm0, $0xb8;
	[tilespmem:$0x1A300] =	vst v63  }
0x1f5: {  	s10 =	simm.s32 $0x3300  }
0x1f6: {  	[tilespmem:s10], [sflag:$0x1] =	stream.indirect_vreg.gather [hbm4b:s11+s4], $0x80, v21, vm0, $0xb8;
	[tilespmem:$0x1A300] =	vst v63  }
0x1f7: {  	s14 =	simm.s32 $0x3B00  }
0x1f8: {  	[tilespmem:s14], [sflag:$0x1] =	stream.indirect_vreg.gather [hbm4b:s2+s4], $0x80, v20, vm0, $0xb8;
	[tilespmem:$0x1A300] =	vst v63  }
0x1f9: {  	s15 =	simm.s32 $0x4300  }
0x1fa: {  	[tilespmem:s15], [sflag:$0x1] =	stream.indirect_vreg.gather [hbm4b:s7+s4], $0x80, v20, vm0, $0xb8;
	[tilespmem:$0x1A300] =	vst v63  }
0x1fb: {  	s20 =	simm.s32 $0x4B00  }
0x1fc: {  	[tilespmem:s20], [sflag:$0x1] =	stream.indirect_vreg.gather [hbm4b:s11+s4], $0x80, v20, vm0, $0xb8;
	[tilespmem:$0x1A300] =	vst v63  }
0x1fd: {  	v20 =	vld [tilespmem:s9+$0x10];
	_ =	sdelay $0x4  }
0x1fe: {  	v61 =	vshrl.u32 v20, $0x3  }
0x1ff: {  	v21 =	vmul.u32 $0x30, v61  }
0x200: {  	v20 =	vand.u32 $0x7, v20  }
0x201: {  	v20 =	vor.u32 v20, v21  }
0x202: {  	v21 =	vperm.xlane v20, v1;
	_ =	sdelay $0x1  }
0x203: {  	v21 =	vadd.s32 v2, v21;
	_ =	sdelay $0x3  }
0x204: {  	s21 =	simm.s32 $0x5300;
	v20 =	vperm.xlane v20, v3  }
0x205: {  	[tilespmem:s21], [sflag:$0x1] =	stream.indirect_vreg.gather [hbm4b:s2+s4], $0x80, v21, vm0, $0xb8;
	[tilespmem:$0x1A300] =	vst v63  }
0x206: {  	s8 =	simm.s32 $0x5B00;
	v20 =	vadd.s32 v2, v20  }
0x207: {  	[tilespmem:s8], [sflag:$0x1] =	stream.indirect_vreg.gather [hbm4b:s7+s4], $0x80, v21, vm0, $0xb8;
	[tilespmem:$0x1A300] =	vst v63  }
0x208: {  	s10 =	simm.s32 $0x6300  }
0x209: {  	[tilespmem:s10], [sflag:$0x1] =	stream.indirect_vreg.gather [hbm4b:s11+s4], $0x80, v21, vm0, $0xb8;
	[tilespmem:$0x1A300] =	vst v63  }
0x20a: {  	s14 =	simm.s32 $0x6B00  }
0x20b: {  	[tilespmem:s14], [sflag:$0x1] =	stream.indirect_vreg.gather [hbm4b:s2+s4], $0x80, v20, vm0, $0xb8;
	[tilespmem:$0x1A300] =	vst v63  }
0x20c: {  	s15 =	simm.s32 $0x7300  }
0x20d: {  	[tilespmem:s15], [sflag:$0x1] =	stream.indirect_vreg.gather [hbm4b:s7+s4], $0x80, v20, vm0, $0xb8;
	[tilespmem:$0x1A300] =	vst v63  }
0x20e: {  	s20 =	simm.s32 $0x7B00  }
0x20f: {  	[tilespmem:s20], [sflag:$0x1] =	stream.indirect_vreg.gather [hbm4b:s11+s4], $0x80, v20, vm0, $0xb8;
	[tilespmem:$0x1A300] =	vst v63  }
0x210: {  	v20 =	vld [tilespmem:s9+$0x20];
	_ =	sdelay $0x4  }
0x211: {  	v62 =	vshrl.u32 v20, $0x3  }
0x212: {  	v21 =	vmul.u32 $0x30, v62  }
0x213: {  	v20 =	vand.u32 $0x7, v20  }
0x214: {  	v20 =	vor.u32 v20, v21  }
0x215: {  	v21 =	vperm.xlane v20, v1;
	_ =	sdelay $0x1  }
0x216: {  	v21 =	vadd.s32 v2, v21;
	_ =	sdelay $0x3  }
0x217: {  	s21 =	simm.s32 $0x8300;
	v20 =	vperm.xlane v20, v3  }
0x218: {  	[tilespmem:s21], [sflag:$0x1] =	stream.indirect_vreg.gather [hbm4b:s2+s4], $0x80, v21, vm0, $0xb8;
	[tilespmem:$0x1A300] =	vst v63  }
0x219: {  	s8 =	simm.s32 $0x8B00;
	v20 =	vadd.s32 v2, v20  }
0x21a: {  	[tilespmem:s8], [sflag:$0x1] =	stream.indirect_vreg.gather [hbm4b:s7+s4], $0x80, v21, vm0, $0xb8;
	[tilespmem:$0x1A300] =	vst v63  }
0x21b: {  	s10 =	simm.s32 $0x9300  }
0x21c: {  	[tilespmem:s10], [sflag:$0x1] =	stream.indirect_vreg.gather [hbm4b:s11+s4], $0x80, v21, vm0, $0xb8;
	[tilespmem:$0x1A300] =	vst v63  }
0x21d: {  	s14 =	simm.s32 $0x9B00  }
0x21e: {  	[tilespmem:s14], [sflag:$0x1] =	stream.indirect_vreg.gather [hbm4b:s2+s4], $0x80, v20, vm0, $0xb8;
	[tilespmem:$0x1A300] =	vst v63  }
0x21f: {  	s15 =	simm.s32 $0xA300  }
0x220: {  	[tilespmem:s15], [sflag:$0x1] =	stream.indirect_vreg.gather [hbm4b:s7+s4], $0x80, v20, vm0, $0xb8;
	[tilespmem:$0x1A300] =	vst v63  }
0x221: {  	s20 =	simm.s32 $0xAB00  }
0x222: {  	[tilespmem:s20], [sflag:$0x1] =	stream.indirect_vreg.gather [hbm4b:s11+s4], $0x80, v20, vm0, $0xb8;
	[tilespmem:$0x1A300] =	vst v63  }
0x223: {  	v20 =	vld [tilespmem:s9+$0x30];
	_ =	sdelay $0x4  }
0x224: {  	v63 =	vshrl.u32 v20, $0x3  }
0x225: {  	v21 =	vmul.u32 $0x30, v63  }
0x226: {  	v20 =	vand.u32 $0x7, v20  }
0x227: {  	v20 =	vor.u32 v20, v21  }
0x228: {  	v21 =	vperm.xlane v20, v1;
	_ =	sdelay $0x1  }
0x229: {  	v21 =	vadd.s32 v2, v21;
	_ =	sdelay $0x3  }
0x22a: {  	s21 =	simm.s32 $0xB300;
	v20 =	vperm.xlane v20, v3  }
0x22b: {  	[tilespmem:s21], [sflag:$0x1] =	stream.indirect_vreg.gather [hbm4b:s2+s4], $0x80, v21, vm0, $0xb8;
	[tilespmem:$0x1A300] =	vst v63  }
0x22c: {  	s8 =	simm.s32 $0xBB00;
	v20 =	vadd.s32 v2, v20  }
0x22d: {  	[tilespmem:s8], [sflag:$0x1] =	stream.indirect_vreg.gather [hbm4b:s7+s4], $0x80, v21, vm0, $0xb8;
	[tilespmem:$0x1A300] =	vst v63  }
0x22e: {  	s10 =	simm.s32 $0xC300  }
0x22f: {  	[tilespmem:s10], [sflag:$0x1] =	stream.indirect_vreg.gather [hbm4b:s11+s4], $0x80, v21, vm0, $0xb8;
	[tilespmem:$0x1A300] =	vst v63  }
0x230: {  	s14 =	simm.s32 $0xCB00  }
0x231: {  	[tilespmem:s14], [sflag:$0x1] =	stream.indirect_vreg.gather [hbm4b:s2+s4], $0x80, v20, vm0, $0xb8;
	[tilespmem:$0x1A300] =	vst v63  }
0x232: {  	p1 =	sge.s32 s3, s13;
	s15 =	simm.s32 $0xD300  }
0x233: {  	[tilespmem:s15], [sflag:$0x1] =	stream.indirect_vreg.gather [hbm4b:s7+s4], $0x80, v20, vm0, $0xb8;
	[tilespmem:$0x1A300] =	vst v63  }
.Ltmp8:
0x234: {  	s20 =	simm.s32 $0xDB00;
	s21 =	simm.s32 $0x2;
	(pc) =	sbr.rel @p1 .LBB2_13-.Ltmp8, $4  }
0x235: {  	[tilespmem:s20], [sflag:$0x1] =	stream.indirect_vreg.gather [hbm4b:s11+s4], $0x80, v20, vm0, $0xb8;
	[tilespmem:$0x1A300] =	vst v63  }
0x236: {  	_ =	swait.ge [sflag:s21], $0xC000  }
0x237: {  	[sflag:s21] =	ssyncset.done $0x0  }
0x238: {  	[sflag:s21] =	ssyncadd.s32 $0xFFFF4000  }
0x239: {  	s3 =	sshll.u32 s3, $0x2  }
0x23a: {  	s8 =	sshra.s32 s3, $0x2  }
0x23b: {  	s3 =	sadd.s32 $0x2000, s8  }
0x23c: {  	v20 =	vld [tilespmem:s3+$0x0]  }
0x23d: {  	s15 =	sadd.s32 $0x2180, s8  }
0x23e: {  	v21 =	vld [tilespmem:s15+$0x0];
	_ =	sdelay $0x2  }
0x23f: {  	(v2sf) =	vpush v20, $0x0;
	_ =	sdelay $0x1  }
0x240: {  	(v2sf) =	vpush v21, $0x0;
	_ =	sdelay $0xc  }
0x241: {  	s0 =	spop (v2sf)  }
0x242: {  	s10 =	sadd.s32 $0xFFFFFFC0, s0  }
0x243: {  	s14 =	spop (v2sf);
	s10 =	sshrl.u32 s10, $0x3  }
0x244: {  	s20 =	sshrl.u32 s14, $0x3;
	s10 =	smul.u32 $0x6000, s10  }
0x245: {  	s14 =	sshll.u32 s14, $0x7;
	s20 =	smul.u32 $0x1800, s20  }
0x246: {  	s8 =	sshll.u32 s0, $0x7;
	s14 =	sand.u32 $0x380, s14  }
0x247: {  	s8 =	sand.u32 $0x380, s8;
	s10 =	sshra.s32 s10, $0x2;
	s14 =	sor.u32 s14, s20  }
0x248: {  	s8 =	sor.u32 s8, s10;
	s20 =	sshrl.u32 s14, $0x3  }
0x249: {  	s21 =	sadd.s32 $0xE300, s8;
	s10 =	sadd.s32 s1, s20  }
0x24a: {  	[tilespmem:s21], [sflag:$0x3] =	stream.linear.gather [hbm4b:s10+s4], $0x80, $0x38;
	[tilespmem:$0x1A300] =	vst v63  }
0x24b: {  	s29 =	sadd.s32 $0xE700, s8;
	s0 =	sadd.s32 $0x80, s10  }
0x24c: {  	[tilespmem:s29], [sflag:$0x3] =	stream.linear.gather [hbm4b:s0+s4], $0x80, $0x38;
	[tilespmem:$0x1A300] =	vst v63  }
0x24d: {  	s29 =	sadd.s32 s23, s22  }
0x24e: {  	s20 =	sadd.s32 $0x100, s10;
	s21 =	sadd.s32 $0xEB00, s8;
	s14 =	sadd.s32 s24, s29  }
0x24f: {  	[tilespmem:s21], [sflag:$0x3] =	stream.linear.gather [hbm4b:s20+s4], $0x80, $0x38;
	[tilespmem:$0x1A300] =	vst v63  }
0x250: {  	s14 =	sadd.s32 s25, s14  }
0x251: {  	s0 =	sadd.s32 $0x180, s10;
	s21 =	sadd.s32 $0xEF00, s8;
	p1 =	sne.s32 s14, $0x1  }
0x252: {  	[tilespmem:s21], [sflag:$0x3] =	stream.linear.gather [hbm4b:s0+s4], $0x80, $0x38;
	[tilespmem:$0x1A300] =	vst v63  }
.Ltmp9:
0x253: {  	s29 =	sadd.s32 $0xF300, s8;
	s21 =	sadd.s32 $0x200, s10;
	(pc) =	sbr.rel @!p1 .LBB2_12-.Ltmp9, $4  }
0x254: {  	[tilespmem:s29], [sflag:$0x3] =	stream.linear.gather [hbm4b:s21+s4], $0x80, $0x38;
	[tilespmem:$0x1A300] =	vst v63  }
0x255: {  	s8 =	sadd.s32 $0xF700, s8;
	s10 =	sadd.s32 $0x280, s10  }
0x256: {  	[tilespmem:s8], [sflag:$0x3] =	stream.linear.gather [hbm4b:s10+s4], $0x80, $0x38;
	[tilespmem:$0x1A300] =	vst v63  }
0x257: {  	s20 =	sadd.s32 $0xFFFFFFFF, s14;
	_ =	swait.ge [sflag:s18], $0x300  }
.LBB2_11:
0x258: {  	[sflag:s18] =	ssyncset.done $0x0;
	s15 =	sadd.s32 $0x1, s15;
	s3 =	sadd.s32 $0x1, s3  }
0x259: {  	p1 =	sne.s32 s20, $0x1;
	s20 =	sadd.s32 $0xFFFFFFFF, s20;
	[sflag:s18] =	ssyncadd.s32 $0xFFFFFD00  }
0x25a: {  	v20 =	vld [tilespmem:s3+$0x0]  }
0x25b: {  	v21 =	vld [tilespmem:s15+$0x0];
	_ =	sdelay $0x3  }
0x25c: {  	(v2sf) =	vpush v20, $0x0  }
0x25d: {  	(v2sf) =	vpush v21, $0x0;
	_ =	sdelay $0xd  }
0x25e: {  	s8 =	spop (v2sf)  }
0x25f: {  	s10 =	sshll.u32 s8, $0x7;
	s8 =	sadd.s32 $0xFFFFFFC0, s8;
	s14 =	spop (v2sf)  }
0x260: {  	s21 =	sshrl.u32 s14, $0x3;
	s14 =	sshll.u32 s14, $0x7;
	s8 =	sshrl.u32 s8, $0x3  }
0x261: {  	s8 =	smul.u32 $0x6000, s8  }
0x262: {  	s21 =	smul.u32 $0x1800, s21;
	s14 =	sand.u32 $0x380, s14  }
0x263: {  	s10 =	sand.u32 $0x380, s10;
	s8 =	sshra.s32 s8, $0x2  }
0x264: {  	s14 =	sor.u32 s14, s21;
	s8 =	sor.u32 s10, s8  }
0x265: {  	s10 =	sshrl.u32 s14, $0x3;
	s14 =	sadd.s32 $0xE300, s8  }
0x266: {  	s10 =	sadd.s32 s1, s10;
	s21 =	sadd.s32 $0xE700, s8  }
0x267: {  	[tilespmem:s14], [sflag:$0x3] =	stream.linear.gather [hbm4b:s10+s4], $0x80, $0x38;
	[tilespmem:$0x1A300] =	vst v63  }
0x268: {  	s0 =	sadd.s32 $0xEB00, s8;
	s29 =	sadd.s32 $0x100, s10;
	s14 =	sadd.s32 $0x80, s10  }
0x269: {  	[tilespmem:s21], [sflag:$0x3] =	stream.linear.gather [hbm4b:s14+s4], $0x80, $0x38;
	[tilespmem:$0x1A300] =	vst v63  }
0x26a: {  	s14 =	sadd.s32 $0x180, s10;
	s21 =	sadd.s32 $0xEF00, s8  }
0x26b: {  	[tilespmem:s0], [sflag:$0x3] =	stream.linear.gather [hbm4b:s29+s4], $0x80, $0x38;
	[tilespmem:$0x1A300] =	vst v63  }
0x26c: {  	s0 =	sadd.s32 $0x200, s10;
	s29 =	sadd.s32 $0xF300, s8  }
0x26d: {  	[tilespmem:s21], [sflag:$0x3] =	stream.linear.gather [hbm4b:s14+s4], $0x80, $0x38;
	[tilespmem:$0x1A300] =	vst v63  }
.Ltmp10:
0x26e: {  	s10 =	sadd.s32 $0x280, s10;
	s8 =	sadd.s32 $0xF700, s8;
	(pc) =	sbr.rel @p1 .LBB2_11-.Ltmp10, $4  }
0x26f: {  	[tilespmem:s29], [sflag:$0x3] =	stream.linear.gather [hbm4b:s0+s4], $0x80, $0x38;
	[tilespmem:$0x1A300] =	vst v63  }
0x270: {  	_ = 	snop  }
0x271: {  	[tilespmem:s8], [sflag:$0x3] =	stream.linear.gather [hbm4b:s10+s4], $0x80, $0x38;
	[tilespmem:$0x1A300] =	vst v63  }
0x272: {  	_ =	swait.ge [sflag:s18], $0x300  }
.LBB2_12:
0x273: {  	[sflag:s18] =	ssyncset.done $0x0  }
0x274: {  	s29 =	simm.s32 $0x2300;
	[sflag:s18] =	ssyncadd.s32 $0xFFFFFD00  }
.LBB2_13:
0x275: {  	s0 =	rddreg [dreg:$0x9];
	s20 =	simm.s32 $0xE300  }
0x276: {  	[hbm4b:s0+s4] =	stream.linear.scatter [tilespmem:s20], [sflag:$0x3], $0xC000, $0x38;
	[tilespmem:$0x1A300] =	vst v63  }
0x277: {  	_ =	swait.ge [sflag:s18], $0xC000  }
0x278: {  	[sflag:s18] =	ssyncset.done $0x0  }
0x279: {  	s0 =	rddreg [dreg:$0x7];
	[sflag:s18] =	ssyncadd.s32 $0xFFFF4000  }
0x27a: {  	v20 =	vld [tilespmem:s0+$0x0];
	_ =	sdelay $0x4  }
0x27b: {  	v21 =	vshrl.u32 v20, $0x3  }
0x27c: {  	v21 =	vmul.u32 $0x30, v21  }
0x27d: {  	v20 =	vand.u32 $0x7, v20  }
0x27e: {  	v20 =	vor.u32 v20, v21  }
0x27f: {  	v21 =	vperm.xlane v20, v1;
	_ =	sdelay $0x1  }
0x280: {  	v21 =	vadd.s32 v2, v21;
	_ =	sdelay $0x3  }
0x281: {  	v20 =	vperm.xlane v20, v3  }
0x282: {  	[tilespmem:s20], [sflag:$0x2] =	stream.indirect_vreg.gather [hbm4b:s2+s4], $0x80, v21, vm0, $0xb8;
	[tilespmem:$0x1A300] =	vst v63  }
0x283: {  	s3 =	simm.s32 $0xEB00;
	v20 =	vadd.s32 v2, v20  }
0x284: {  	[tilespmem:s3], [sflag:$0x2] =	stream.indirect_vreg.gather [hbm4b:s7+s4], $0x80, v21, vm0, $0xb8;
	[tilespmem:$0x1A300] =	vst v63  }
0x285: {  	s15 =	simm.s32 $0xF300  }
0x286: {  	[tilespmem:s15], [sflag:$0x2] =	stream.indirect_vreg.gather [hbm4b:s11+s4], $0x80, v21, vm0, $0xb8;
	[tilespmem:$0x1A300] =	vst v63  }
0x287: {  	s21 =	simm.s32 $0xFB00  }
0x288: {  	[tilespmem:s21], [sflag:$0x2] =	stream.indirect_vreg.gather [hbm4b:s2+s4], $0x80, v20, vm0, $0xb8;
	[tilespmem:$0x1A300] =	vst v63  }
0x289: {  	s8 =	simm.s32 $0x10300  }
0x28a: {  	[tilespmem:s8], [sflag:$0x2] =	stream.indirect_vreg.gather [hbm4b:s7+s4], $0x80, v20, vm0, $0xb8;
	[tilespmem:$0x1A300] =	vst v63  }
0x28b: {  	s10 =	simm.s32 $0x10B00  }
0x28c: {  	[tilespmem:s10], [sflag:$0x2] =	stream.indirect_vreg.gather [hbm4b:s11+s4], $0x80, v20, vm0, $0xb8;
	[tilespmem:$0x1A300] =	vst v63  }
0x28d: {  	v20 =	vld [tilespmem:s0+$0x10];
	_ =	sdelay $0x4  }
0x28e: {  	v61 =	vshrl.u32 v20, $0x3  }
0x28f: {  	v21 =	vmul.u32 $0x30, v61  }
0x290: {  	v20 =	vand.u32 $0x7, v20  }
0x291: {  	v20 =	vor.u32 v20, v21  }
0x292: {  	v21 =	vperm.xlane v20, v1;
	_ =	sdelay $0x1  }
0x293: {  	v21 =	vadd.s32 v2, v21;
	_ =	sdelay $0x3  }
0x294: {  	s14 =	simm.s32 $0x11300;
	v20 =	vperm.xlane v20, v3  }
0x295: {  	[tilespmem:s14], [sflag:$0x2] =	stream.indirect_vreg.gather [hbm4b:s2+s4], $0x80, v21, vm0, $0xb8;
	[tilespmem:$0x1A300] =	vst v63  }
0x296: {  	s15 =	simm.s32 $0x11B00;
	v20 =	vadd.s32 v2, v20  }
0x297: {  	[tilespmem:s15], [sflag:$0x2] =	stream.indirect_vreg.gather [hbm4b:s7+s4], $0x80, v21, vm0, $0xb8;
	[tilespmem:$0x1A300] =	vst v63  }
0x298: {  	s21 =	simm.s32 $0x12300  }
0x299: {  	[tilespmem:s21], [sflag:$0x2] =	stream.indirect_vreg.gather [hbm4b:s11+s4], $0x80, v21, vm0, $0xb8;
	[tilespmem:$0x1A300] =	vst v63  }
0x29a: {  	s8 =	simm.s32 $0x12B00  }
0x29b: {  	[tilespmem:s8], [sflag:$0x2] =	stream.indirect_vreg.gather [hbm4b:s2+s4], $0x80, v20, vm0, $0xb8;
	[tilespmem:$0x1A300] =	vst v63  }
0x29c: {  	s10 =	simm.s32 $0x13300  }
0x29d: {  	[tilespmem:s10], [sflag:$0x2] =	stream.indirect_vreg.gather [hbm4b:s7+s4], $0x80, v20, vm0, $0xb8;
	[tilespmem:$0x1A300] =	vst v63  }
0x29e: {  	s14 =	simm.s32 $0x13B00  }
0x29f: {  	[tilespmem:s14], [sflag:$0x2] =	stream.indirect_vreg.gather [hbm4b:s11+s4], $0x80, v20, vm0, $0xb8;
	[tilespmem:$0x1A300] =	vst v63  }
0x2a0: {  	v20 =	vld [tilespmem:s0+$0x20];
	_ =	sdelay $0x4  }
0x2a1: {  	v62 =	vshrl.u32 v20, $0x3  }
0x2a2: {  	v21 =	vmul.u32 $0x30, v62  }
0x2a3: {  	v20 =	vand.u32 $0x7, v20  }
0x2a4: {  	v20 =	vor.u32 v20, v21  }
0x2a5: {  	v21 =	vperm.xlane v20, v1;
	_ =	sdelay $0x1  }
0x2a6: {  	v21 =	vadd.s32 v2, v21;
	_ =	sdelay $0x3  }
0x2a7: {  	s15 =	simm.s32 $0x14300;
	v20 =	vperm.xlane v20, v3  }
0x2a8: {  	[tilespmem:s15], [sflag:$0x2] =	stream.indirect_vreg.gather [hbm4b:s2+s4], $0x80, v21, vm0, $0xb8;
	[tilespmem:$0x1A300] =	vst v63  }
0x2a9: {  	s21 =	simm.s32 $0x14B00;
	v20 =	vadd.s32 v2, v20  }
0x2aa: {  	[tilespmem:s21], [sflag:$0x2] =	stream.indirect_vreg.gather [hbm4b:s7+s4], $0x80, v21, vm0, $0xb8;
	[tilespmem:$0x1A300] =	vst v63  }
0x2ab: {  	s8 =	simm.s32 $0x15300  }
0x2ac: {  	[tilespmem:s8], [sflag:$0x2] =	stream.indirect_vreg.gather [hbm4b:s11+s4], $0x80, v21, vm0, $0xb8;
	[tilespmem:$0x1A300] =	vst v63  }
0x2ad: {  	s10 =	simm.s32 $0x15B00  }
0x2ae: {  	[tilespmem:s10], [sflag:$0x2] =	stream.indirect_vreg.gather [hbm4b:s2+s4], $0x80, v20, vm0, $0xb8;
	[tilespmem:$0x1A300] =	vst v63  }
0x2af: {  	s14 =	simm.s32 $0x16300  }
0x2b0: {  	[tilespmem:s14], [sflag:$0x2] =	stream.indirect_vreg.gather [hbm4b:s7+s4], $0x80, v20, vm0, $0xb8;
	[tilespmem:$0x1A300] =	vst v63  }
0x2b1: {  	s15 =	simm.s32 $0x16B00  }
0x2b2: {  	[tilespmem:s15], [sflag:$0x2] =	stream.indirect_vreg.gather [hbm4b:s11+s4], $0x80, v20, vm0, $0xb8;
	[tilespmem:$0x1A300] =	vst v63  }
0x2b3: {  	v20 =	vld [tilespmem:s0+$0x30];
	_ =	sdelay $0x4  }
0x2b4: {  	v63 =	vshrl.u32 v20, $0x3  }
0x2b5: {  	v21 =	vmul.u32 $0x30, v63  }
0x2b6: {  	v20 =	vand.u32 $0x7, v20  }
0x2b7: {  	v20 =	vor.u32 v20, v21  }
0x2b8: {  	v21 =	vperm.xlane v20, v1;
	_ =	sdelay $0x1  }
0x2b9: {  	v21 =	vadd.s32 v2, v21;
	_ =	sdelay $0x3  }
0x2ba: {  	s21 =	simm.s32 $0x17300;
	v20 =	vperm.xlane v20, v3  }
0x2bb: {  	[tilespmem:s21], [sflag:$0x2] =	stream.indirect_vreg.gather [hbm4b:s2+s4], $0x80, v21, vm0, $0xb8;
	[tilespmem:$0x1A300] =	vst v63  }
0x2bc: {  	s3 =	simm.s32 $0x17B00;
	v20 =	vadd.s32 v2, v20  }
0x2bd: {  	[tilespmem:s3], [sflag:$0x2] =	stream.indirect_vreg.gather [hbm4b:s7+s4], $0x80, v21, vm0, $0xb8;
	[tilespmem:$0x1A300] =	vst v63  }
0x2be: {  	s8 =	simm.s32 $0x18300  }
0x2bf: {  	[tilespmem:s8], [sflag:$0x2] =	stream.indirect_vreg.gather [hbm4b:s11+s4], $0x80, v21, vm0, $0xb8;
	[tilespmem:$0x1A300] =	vst v63  }
0x2c0: {  	s10 =	simm.s32 $0x18B00  }
0x2c1: {  	[tilespmem:s10], [sflag:$0x2] =	stream.indirect_vreg.gather [hbm4b:s2+s4], $0x80, v20, vm0, $0xb8;
	[tilespmem:$0x1A300] =	vst v63  }
0x2c2: {  	p1 =	sge.s32 s13, s31;
	s14 =	simm.s32 $0x19300  }
0x2c3: {  	[tilespmem:s14], [sflag:$0x2] =	stream.indirect_vreg.gather [hbm4b:s7+s4], $0x80, v20, vm0, $0xb8;
	[tilespmem:$0x1A300] =	vst v63  }
.Ltmp11:
0x2c4: {  	s15 =	simm.s32 $0x19B00;
	s21 =	simm.s32 $0x1;
	(pc) =	sbr.rel @p1 .LBB2_17-.Ltmp11, $4  }
0x2c5: {  	[tilespmem:s15], [sflag:$0x2] =	stream.indirect_vreg.gather [hbm4b:s11+s4], $0x80, v20, vm0, $0xb8;
	[tilespmem:$0x1A300] =	vst v63  }
0x2c6: {  	_ =	swait.ge [sflag:s21], $0xC000  }
0x2c7: {  	[sflag:s21] =	ssyncset.done $0x0  }
0x2c8: {  	[sflag:s21] =	ssyncadd.s32 $0xFFFF4000  }
0x2c9: {  	s0 =	sshll.u32 s13, $0x2  }
0x2ca: {  	s0 =	sshra.s32 s0, $0x2  }
0x2cb: {  	s3 =	sadd.s32 $0x2000, s0  }
0x2cc: {  	v20 =	vld [tilespmem:s3+$0x0]  }
0x2cd: {  	s13 =	sadd.s32 $0x2180, s0  }
0x2ce: {  	v21 =	vld [tilespmem:s13+$0x0];
	_ =	sdelay $0x2  }
0x2cf: {  	(v2sf) =	vpush v20, $0x0;
	_ =	sdelay $0x1  }
0x2d0: {  	(v2sf) =	vpush v21, $0x0;
	_ =	sdelay $0xc  }
0x2d1: {  	s21 =	spop (v2sf)  }
0x2d2: {  	s8 =	sadd.s32 $0xFFFFFF80, s21  }
0x2d3: {  	s10 =	spop (v2sf);
	s8 =	sshrl.u32 s8, $0x3  }
0x2d4: {  	s14 =	sshrl.u32 s10, $0x3;
	s8 =	smul.u32 $0x6000, s8  }
0x2d5: {  	s10 =	sshll.u32 s10, $0x7;
	s14 =	smul.u32 $0x1800, s14  }
0x2d6: {  	s0 =	sshll.u32 s21, $0x7;
	s10 =	sand.u32 $0x380, s10  }
0x2d7: {  	s0 =	sand.u32 $0x380, s0;
	s8 =	sshra.s32 s8, $0x2;
	s10 =	sor.u32 s10, s14  }
0x2d8: {  	s0 =	sor.u32 s0, s8;
	s14 =	sshrl.u32 s10, $0x3  }
0x2d9: {  	s15 =	sadd.s32 $0x2300, s0;
	s8 =	sadd.s32 s1, s14  }
0x2da: {  	[tilespmem:s15], [sflag:$0x3] =	stream.linear.gather [hbm4b:s8+s4], $0x80, $0x38;
	[tilespmem:$0x1A300] =	vst v63  }
0x2db: {  	s20 =	sadd.s32 $0x2700, s0;
	s21 =	sadd.s32 $0x80, s8  }
0x2dc: {  	[tilespmem:s20], [sflag:$0x3] =	stream.linear.gather [hbm4b:s21+s4], $0x80, $0x38;
	[tilespmem:$0x1A300] =	vst v63  }
0x2dd: {  	s20 =	sadd.s32 s12, s26  }
0x2de: {  	s14 =	sadd.s32 $0x100, s8;
	s15 =	sadd.s32 $0x2B00, s0;
	s10 =	sadd.s32 s28, s20  }
0x2df: {  	[tilespmem:s15], [sflag:$0x3] =	stream.linear.gather [hbm4b:s14+s4], $0x80, $0x38;
	[tilespmem:$0x1A300] =	vst v63  }
0x2e0: {  	s10 =	sadd.s32 s30, s10  }
0x2e1: {  	s21 =	sadd.s32 $0x180, s8;
	s15 =	sadd.s32 $0x2F00, s0;
	p1 =	sne.s32 s10, $0x1  }
0x2e2: {  	[tilespmem:s15], [sflag:$0x3] =	stream.linear.gather [hbm4b:s21+s4], $0x80, $0x38;
	[tilespmem:$0x1A300] =	vst v63  }
.Ltmp12:
0x2e3: {  	s20 =	sadd.s32 $0x200, s8;
	s21 =	sadd.s32 $0x3300, s0;
	(pc) =	sbr.rel @!p1 .LBB2_16-.Ltmp12, $4  }
0x2e4: {  	[tilespmem:s21], [sflag:$0x3] =	stream.linear.gather [hbm4b:s20+s4], $0x80, $0x38;
	[tilespmem:$0x1A300] =	vst v63  }
0x2e5: {  	s8 =	sadd.s32 $0x280, s8;
	s0 =	sadd.s32 $0x3700, s0  }
0x2e6: {  	[tilespmem:s0], [sflag:$0x3] =	stream.linear.gather [hbm4b:s8+s4], $0x80, $0x38;
	[tilespmem:$0x1A300] =	vst v63  }
0x2e7: {  	s15 =	sadd.s32 $0xFFFFFFFF, s10;
	_ =	swait.ge [sflag:s18], $0x300  }
.LBB2_15:
0x2e8: {  	[sflag:s18] =	ssyncset.done $0x0;
	s13 =	sadd.s32 $0x1, s13;
	s3 =	sadd.s32 $0x1, s3  }
0x2e9: {  	p1 =	sne.s32 s15, $0x1;
	s15 =	sadd.s32 $0xFFFFFFFF, s15;
	[sflag:s18] =	ssyncadd.s32 $0xFFFFFD00  }
0x2ea: {  	v20 =	vld [tilespmem:s3+$0x0]  }
0x2eb: {  	v21 =	vld [tilespmem:s13+$0x0];
	_ =	sdelay $0x3  }
0x2ec: {  	(v2sf) =	vpush v20, $0x0  }
0x2ed: {  	(v2sf) =	vpush v21, $0x0;
	_ =	sdelay $0xd  }
0x2ee: {  	s0 =	spop (v2sf)  }
0x2ef: {  	s8 =	sshll.u32 s0, $0x7;
	s0 =	sadd.s32 $0xFFFFFF80, s0;
	s10 =	spop (v2sf)  }
0x2f0: {  	s14 =	sshrl.u32 s10, $0x3;
	s10 =	sshll.u32 s10, $0x7;
	s0 =	sshrl.u32 s0, $0x3  }
0x2f1: {  	s0 =	smul.u32 $0x6000, s0  }
0x2f2: {  	s14 =	smul.u32 $0x1800, s14;
	s10 =	sand.u32 $0x380, s10  }
0x2f3: {  	s8 =	sand.u32 $0x380, s8;
	s0 =	sshra.s32 s0, $0x2  }
0x2f4: {  	s10 =	sor.u32 s10, s14;
	s0 =	sor.u32 s8, s0  }
0x2f5: {  	s8 =	sshrl.u32 s10, $0x3;
	s10 =	sadd.s32 $0x2300, s0  }
0x2f6: {  	s8 =	sadd.s32 s1, s8;
	s14 =	sadd.s32 $0x2700, s0  }
0x2f7: {  	[tilespmem:s10], [sflag:$0x3] =	stream.linear.gather [hbm4b:s8+s4], $0x80, $0x38;
	[tilespmem:$0x1A300] =	vst v63  }
0x2f8: {  	s21 =	sadd.s32 $0x2B00, s0;
	s20 =	sadd.s32 $0x100, s8;
	s10 =	sadd.s32 $0x80, s8  }
0x2f9: {  	[tilespmem:s14], [sflag:$0x3] =	stream.linear.gather [hbm4b:s10+s4], $0x80, $0x38;
	[tilespmem:$0x1A300] =	vst v63  }
0x2fa: {  	s10 =	sadd.s32 $0x180, s8;
	s14 =	sadd.s32 $0x2F00, s0  }
0x2fb: {  	[tilespmem:s21], [sflag:$0x3] =	stream.linear.gather [hbm4b:s20+s4], $0x80, $0x38;
	[tilespmem:$0x1A300] =	vst v63  }
0x2fc: {  	s20 =	sadd.s32 $0x200, s8;
	s21 =	sadd.s32 $0x3300, s0  }
0x2fd: {  	[tilespmem:s14], [sflag:$0x3] =	stream.linear.gather [hbm4b:s10+s4], $0x80, $0x38;
	[tilespmem:$0x1A300] =	vst v63  }
.Ltmp13:
0x2fe: {  	s8 =	sadd.s32 $0x280, s8;
	s0 =	sadd.s32 $0x3700, s0;
	(pc) =	sbr.rel @p1 .LBB2_15-.Ltmp13, $4  }
0x2ff: {  	[tilespmem:s21], [sflag:$0x3] =	stream.linear.gather [hbm4b:s20+s4], $0x80, $0x38;
	[tilespmem:$0x1A300] =	vst v63  }
0x300: {  	_ = 	snop  }
0x301: {  	[tilespmem:s0], [sflag:$0x3] =	stream.linear.gather [hbm4b:s8+s4], $0x80, $0x38;
	[tilespmem:$0x1A300] =	vst v63  }
0x302: {  	_ =	swait.ge [sflag:s18], $0x300  }
.LBB2_16:
0x303: {  	[sflag:s18] =	ssyncset.done $0x0  }
0x304: {  	s20 =	simm.s32 $0xE300;
	[sflag:s18] =	ssyncadd.s32 $0xFFFFFD00  }
.LBB2_17:
0x305: {  	s0 =	rddreg [dreg:$0xa];
	s21 =	sadd.s32 s19, s17  }
0x306: {  	[hbm4b:s0+s4] =	stream.linear.scatter [tilespmem:s29], [sflag:$0x3], $0xC000, $0x38;
	[tilespmem:$0x1A300] =	vst v63  }
0x307: {  	p1 =	sge.s32 s31, s21;
	_ =	swait.ge [sflag:s18], $0xC000  }
.Ltmp14:
0x308: {  	[sflag:s18] =	ssyncset.done $0x0;
	(pc) =	sbr.rel @p1 .LBB2_21-.Ltmp14, $4  }
0x309: {  	s3 =	simm.s32 $0x2;
	[sflag:s18] =	ssyncadd.s32 $0xFFFF4000  }
0x30a: {  	_ =	swait.ge [sflag:s3], $0xC000  }
0x30b: {  	[sflag:s3] =	ssyncset.done $0x0  }
0x30c: {  	[sflag:s3] =	ssyncadd.s32 $0xFFFF4000  }
0x30d: {  	s0 =	rddreg [dreg:$0xe]  }
0x30e: {  	s3 =	rddreg [dreg:$0xf];
	s0 =	sadd.s32 s0, s16  }
0x30f: {  	s0 =	sadd.s32 s3, s0  }
0x310: {  	s0 =	sadd.s32 s22, s0  }
0x311: {  	s0 =	sadd.s32 s23, s0  }
0x312: {  	s0 =	sadd.s32 s24, s0  }
0x313: {  	s0 =	sadd.s32 s25, s0  }
0x314: {  	s0 =	sadd.s32 s26, s0  }
0x315: {  	s0 =	sadd.s32 s12, s0  }
0x316: {  	s0 =	sadd.s32 s28, s0  }
0x317: {  	s0 =	sadd.s32 s30, s0  }
0x318: {  	s0 =	sshll.u32 s0, $0x2  }
0x319: {  	s0 =	sshra.s32 s0, $0x2  }
0x31a: {  	s3 =	sadd.s32 $0x2000, s0  }
0x31b: {  	v20 =	vld [tilespmem:s3+$0x0]  }
0x31c: {  	s12 =	sadd.s32 $0x2180, s0  }
0x31d: {  	v21 =	vld [tilespmem:s12+$0x0];
	_ =	sdelay $0x2  }
0x31e: {  	(v2sf) =	vpush v20, $0x0;
	_ =	sdelay $0x1  }
0x31f: {  	(v2sf) =	vpush v21, $0x0;
	_ =	sdelay $0xc  }
0x320: {  	s14 =	spop (v2sf)  }
0x321: {  	s8 =	sadd.s32 $0xFFFFFF40, s14  }
0x322: {  	s10 =	spop (v2sf);
	s8 =	sshrl.u32 s8, $0x3  }
0x323: {  	s13 =	sshrl.u32 s10, $0x3;
	s8 =	smul.u32 $0x6000, s8  }
0x324: {  	s24 =	rddreg [dreg:$0x10];
	s10 =	sshll.u32 s10, $0x7;
	s13 =	smul.u32 $0x1800, s13  }
0x325: {  	s25 =	rddreg [dreg:$0x11];
	s0 =	sshll.u32 s14, $0x7;
	s10 =	sand.u32 $0x380, s10  }
0x326: {  	s0 =	sand.u32 $0x380, s0;
	s8 =	sshra.s32 s8, $0x2;
	s10 =	sor.u32 s10, s13  }
0x327: {  	s28 =	rddreg [dreg:$0x12];
	s0 =	sor.u32 s0, s8;
	s15 =	sshrl.u32 s10, $0x3  }
0x328: {  	s10 =	sadd.s32 s25, s24;
	s16 =	sadd.s32 $0xE300, s0;
	s8 =	sadd.s32 s1, s15  }
0x329: {  	[tilespmem:s16], [sflag:$0x3] =	stream.linear.gather [hbm4b:s8+s4], $0x80, $0x38;
	[tilespmem:$0x1A300] =	vst v63  }
0x32a: {  	s19 =	sadd.s32 $0xE700, s0;
	s10 =	sadd.s32 s28, s10;
	s21 =	sadd.s32 $0x80, s8  }
0x32b: {  	[tilespmem:s19], [sflag:$0x3] =	stream.linear.gather [hbm4b:s21+s4], $0x80, $0x38;
	[tilespmem:$0x1A300] =	vst v63  }
0x32c: {  	s23 =	sadd.s32 $0xEB00, s0;
	s22 =	sadd.s32 $0x100, s8;
	s10 =	sadd.s32 s17, s10  }
0x32d: {  	[tilespmem:s23], [sflag:$0x3] =	stream.linear.gather [hbm4b:s22+s4], $0x80, $0x38;
	[tilespmem:$0x1A300] =	vst v63  }
0x32e: {  	s14 =	sadd.s32 $0xEF00, s0;
	s26 =	sadd.s32 $0x180, s8;
	p1 =	sne.s32 s10, $0x1  }
0x32f: {  	[tilespmem:s14], [sflag:$0x3] =	stream.linear.gather [hbm4b:s26+s4], $0x80, $0x38;
	[tilespmem:$0x1A300] =	vst v63  }
.Ltmp15:
0x330: {  	s31 =	sadd.s32 $0xF300, s0;
	s30 =	sadd.s32 $0x200, s8;
	(pc) =	sbr.rel @!p1 .LBB2_20-.Ltmp15, $4  }
0x331: {  	[tilespmem:s31], [sflag:$0x3] =	stream.linear.gather [hbm4b:s30+s4], $0x80, $0x38;
	[tilespmem:$0x1A300] =	vst v63  }
0x332: {  	s0 =	sadd.s32 $0xF700, s0;
	s8 =	sadd.s32 $0x280, s8  }
0x333: {  	[tilespmem:s0], [sflag:$0x3] =	stream.linear.gather [hbm4b:s8+s4], $0x80, $0x38;
	[tilespmem:$0x1A300] =	vst v63  }
0x334: {  	s0 =	sadd.s32 $0xFFFFFFFF, s10;
	_ =	swait.ge [sflag:s18], $0x300  }
.LBB2_19:
0x335: {  	[sflag:s18] =	ssyncset.done $0x0;
	s12 =	sadd.s32 $0x1, s12;
	s3 =	sadd.s32 $0x1, s3  }
0x336: {  	p1 =	sne.s32 s0, $0x1;
	s0 =	sadd.s32 $0xFFFFFFFF, s0;
	[sflag:s18] =	ssyncadd.s32 $0xFFFFFD00  }
0x337: {  	v20 =	vld [tilespmem:s3+$0x0]  }
0x338: {  	v21 =	vld [tilespmem:s12+$0x0];
	_ =	sdelay $0x3  }
0x339: {  	(v2sf) =	vpush v20, $0x0  }
0x33a: {  	(v2sf) =	vpush v21, $0x0;
	_ =	sdelay $0xd  }
0x33b: {  	s8 =	spop (v2sf)  }
0x33c: {  	s10 =	sshll.u32 s8, $0x7;
	s8 =	sadd.s32 $0xFFFFFF40, s8;
	s13 =	spop (v2sf)  }
0x33d: {  	s14 =	sshrl.u32 s13, $0x3;
	s13 =	sshll.u32 s13, $0x7;
	s8 =	sshrl.u32 s8, $0x3  }
0x33e: {  	s8 =	smul.u32 $0x6000, s8  }
0x33f: {  	s14 =	smul.u32 $0x1800, s14;
	s13 =	sand.u32 $0x380, s13  }
0x340: {  	s10 =	sand.u32 $0x380, s10;
	s8 =	sshra.s32 s8, $0x2  }
0x341: {  	s13 =	sor.u32 s13, s14;
	s8 =	sor.u32 s10, s8  }
0x342: {  	s10 =	sshrl.u32 s13, $0x3;
	s13 =	sadd.s32 $0xE300, s8  }
0x343: {  	s10 =	sadd.s32 s1, s10;
	s14 =	sadd.s32 $0xE700, s8  }
0x344: {  	[tilespmem:s13], [sflag:$0x3] =	stream.linear.gather [hbm4b:s10+s4], $0x80, $0x38;
	[tilespmem:$0x1A300] =	vst v63  }
0x345: {  	s16 =	sadd.s32 $0xEB00, s8;
	s15 =	sadd.s32 $0x100, s10;
	s13 =	sadd.s32 $0x80, s10  }
0x346: {  	[tilespmem:s14], [sflag:$0x3] =	stream.linear.gather [hbm4b:s13+s4], $0x80, $0x38;
	[tilespmem:$0x1A300] =	vst v63  }
0x347: {  	s13 =	sadd.s32 $0x180, s10;
	s14 =	sadd.s32 $0xEF00, s8  }
0x348: {  	[tilespmem:s16], [sflag:$0x3] =	stream.linear.gather [hbm4b:s15+s4], $0x80, $0x38;
	[tilespmem:$0x1A300] =	vst v63  }
0x349: {  	s15 =	sadd.s32 $0x200, s10;
	s16 =	sadd.s32 $0xF300, s8  }
0x34a: {  	[tilespmem:s14], [sflag:$0x3] =	stream.linear.gather [hbm4b:s13+s4], $0x80, $0x38;
	[tilespmem:$0x1A300] =	vst v63  }
.Ltmp16:
0x34b: {  	s10 =	sadd.s32 $0x280, s10;
	s8 =	sadd.s32 $0xF700, s8;
	(pc) =	sbr.rel @p1 .LBB2_19-.Ltmp16, $4  }
0x34c: {  	[tilespmem:s16], [sflag:$0x3] =	stream.linear.gather [hbm4b:s15+s4], $0x80, $0x38;
	[tilespmem:$0x1A300] =	vst v63  }
0x34d: {  	_ = 	snop  }
0x34e: {  	[tilespmem:s8], [sflag:$0x3] =	stream.linear.gather [hbm4b:s10+s4], $0x80, $0x38;
	[tilespmem:$0x1A300] =	vst v63  }
0x34f: {  	_ =	swait.ge [sflag:s18], $0x300  }
.Ltmp17:
0x350: {  	_ = 	snop;
	(pc) =	sbr.rel .LBB2_20-.Ltmp17, $1  }
0x351: {  	_ =	sdelay $0x3  }
.LBB2_22:
0x352: {  	_ =	sfence.sel $0x180000  }
0x353: {  	[bflag:$0x0] =	sbarrier.arrive $0xFFFF  }
0x354: {  	_ =	strace $0x90000047  }
0x355: {  	s0 =	stileid.u32;
	[bflag:$0x2] =	sbarrier.arrive $0xFFFF  }
0x356: {  	p0 =	sne.s32 s0, $0x0;
	s0 =	rddreg [dreg:$0x4]  }
0x357: {  	s0 =	sadd.s32 @!p0 $0x100000, s0  }
0x358: {  	[sflag:s0] =	ssyncadd.tile.s32 @!p0 $0x1;
	_ =	shalt  }
.Lfunc_end2:
_tile_overlayer_lowered:
.L_overlay_start_2:
0x359: {  	(tag) =	ssettag $0x2  }
0x35a: {  	s0 =	rddreg [dreg:$0x0];
	s2 =	stileid.u32  }
0x35b: {  	s1 =	rddreg [dreg:$0x1];
	p0 =	sne.s32 s2, $0x0  }
0x35c: {  	s3 =	rddreg [dreg:$0x2];
	[bflag:$0x3] =	sbarrier.arrive $0xFFFF;
	s2 =	simm.s32 @!p0 $0x1C03  }
0x35d: {  	[timem:s3], [sflag:s2] =	dma.local @!p0 [hbm:s0], s1  }
0x35e: {  	s0 =	simm.s32 @!p0 $0x3  }
0x35f: {  	_ =	swait.ge @!p0 [sflag:s0], s1  }
0x360: {  	s1 =	ssub.s32 @!p0 $0x0, s1;
	[sflag:s0] =	ssyncset.done @!p0 $0x0  }
0x361: {  	[sflag:s0] =	ssyncadd.s32 @!p0 s1  }
0x362: {  	[bflag:$0x3] =	sbarrier.arrive $0xFFFF  }
0x363: {  	_ =	shalt  }

</sc_bundles>
